<compile_context>
chip_gen: v7x
topology: tpu7x:2x2x1
jax: 0.10.2.dev20260603
libtpu: 0.0.44.dev20260713+nightly
codegen_flags: <defaults>
</compile_context>

<pallas_src>
import functools

import jax
import jax.numpy as jnp
from jax import lax
from jax.experimental import pallas as pl
from jax.experimental.pallas import tpu as pltpu
from jax.experimental.pallas import tpu_sc as plsc

NTOK = 1000
D = 128
NR = 50
NRP = 64
NORM = 9.0
B = 16384

NC, NS = 2, 16
NW = NC * NS
RPW = B // NW
CH = 128
NCH = RPW // CH

BNW = 8

BLK = 4096
GSTEPS = B // BLK


def _sc_gather(W, b, noise, target):
    mesh = plsc.VectorSubcoreMesh(
        core_axis_name="c", subcore_axis_name="s", num_cores=NC, num_subcores=NS
    )

    @functools.partial(
        pl.kernel,
        out_type=(
            jax.ShapeDtypeStruct((B, D), jnp.float32),
            jax.ShapeDtypeStruct((BNW, B), jnp.float32),
        ),
        mesh=mesh,
        compiler_params=pltpu.CompilerParams(needs_layout_passes=False),
        scratch_types=[
            pltpu.VMEM((NCH, CH), jnp.int32),
            pltpu.VMEM((CH, D), jnp.float32),
            pltpu.VMEM((CH, D), jnp.float32),
            pltpu.VMEM((BNW, RPW), jnp.float32),
            pltpu.VMEM((NTOK,), jnp.float32),
            pltpu.VMEM((NTOK,), jnp.float32),
            pltpu.SemaphoreType.DMA,
            pltpu.SemaphoreType.DMA,
            pltpu.SemaphoreType.DMA,
            pltpu.SemaphoreType.DMA,
        ],
    )
    def k(w_hbm, b_hbm, nz_hbm, t_hbm,
          wr_hbm, bnt_hbm,
          idx_v, rows_a, rows_b, bnt_v,
          btab_v, ntab_v, semi, semt, sg0, sg1):
        wid = lax.axis_index("s") * NC + lax.axis_index("c")
        base = wid * RPW
        idxc = [
            pltpu.async_copy(
                t_hbm.at[pl.ds(base + g * CH, CH)], idx_v.at[g], semi)
            for g in range(NCH)
        ]
        tbc = [pltpu.async_copy(b_hbm, btab_v, semt),
               pltpu.async_copy(nz_hbm, ntab_v, semt)]
        for c in idxc:
            c.wait()
        bufs = [rows_a, rows_b]
        sems = [sg0, sg1]
        gath = [pltpu.async_copy(w_hbm.at[idx_v.at[0]], bufs[0], sems[0]),
                None]
        for c in tbc:
            c.wait()
        lane = lax.iota(jnp.int32, 16)
        col0 = jnp.zeros((16,), jnp.int32)
        col1 = col0 + 1
        for j in range(RPW // 16):
            g, o = divmod(j, CH // 16)
            tv = idx_v[g, pl.ds(o * 16, 16)]
            bv = plsc.load_gather(btab_v, [tv])
            nv = plsc.load_gather(ntab_v, [tv])
            row = j * 16 + lane
            plsc.store_scatter(bnt_v, [col0, row], bv)
            plsc.store_scatter(bnt_v, [col1, row], nv)
        for g in range(NCH):
            i = g % 2
            gath[i].wait()
            if g + 1 < NCH:
                gath[(g + 1) % 2] = pltpu.async_copy(
                    w_hbm.at[idx_v.at[g + 1]], bufs[(g + 1) % 2],
                    sems[(g + 1) % 2])
            pltpu.sync_copy(bufs[i], wr_hbm.at[pl.ds(base + g * CH, CH)])
        pltpu.sync_copy(bnt_v, bnt_hbm.at[:, pl.ds(base, RPW)])

    return k(W, b, noise, target)


def _noise_body(x_ref, w_ref, ns_ref, bnz_ref, out_ref, wn_s, aux_s):
    i = pl.program_id(0)

    @pl.when(i == 0)
    def _():
        ns_col = ns_ref[:, 0:1]
        v_iota = lax.broadcasted_iota(jnp.int32, (NRP, NTOK), 1)
        onehot = (v_iota == ns_col).astype(jnp.float32)
        wn_s[...] = lax.dot_general(
            onehot, w_ref[...], (((1,), (0,)), ((), ())),
            precision=lax.Precision.HIGHEST,
            preferred_element_type=jnp.float32)
        bnz64 = lax.dot_general(
            onehot, bnz_ref[...], (((1,), (0,)), ((), ())),
            precision=lax.Precision.HIGHEST,
            preferred_element_type=jnp.float32)
        k_iota = lax.broadcasted_iota(jnp.int32, (2, 8), 1)
        r_iota = lax.broadcasted_iota(jnp.int32, (2, 8), 0)
        sel = (k_iota == r_iota).astype(jnp.float32)
        aux_s[...] = lax.dot_general(
            sel, bnz64, (((1,), (1,)), ((), ())),
            precision=lax.Precision.HIGHEST,
            preferred_element_type=jnp.float32)

    x = x_ref[...]
    bn_row = aux_s[0:1, :]
    nz_row = aux_s[1:2, :]
    nlog = lax.dot_general(
        x, wn_s[...], (((1,), (1,)), ((), ())),
        precision=lax.Precision.DEFAULT,
        preferred_element_type=jnp.float32) + bn_row - NORM
    npb = jnp.exp(nlog)
    kn = NR * nz_row
    mask = lax.broadcasted_iota(jnp.int32, (1, NRP), 1) < NR
    terms = jnp.where(mask, jnp.log(kn) - jnp.log(npb + kn), 0.0)
    tot = jnp.sum(jnp.sum(terms, axis=1, keepdims=True),
                  axis=0, keepdims=True)
    prev = jnp.where(i == 0, 0.0, out_ref[...])
    out_ref[...] = prev + tot


def _tc_noise(x, W, ns2d, bnz):
    return pl.pallas_call(
        _noise_body,
        grid=(GSTEPS,),
        in_specs=[
            pl.BlockSpec((BLK, D), lambda i: (i, 0)),
            pl.BlockSpec((NTOK, D), lambda i: (0, 0)),
            pl.BlockSpec((NRP, 8), lambda i: (0, 0)),
            pl.BlockSpec((NTOK, 8), lambda i: (0, 0)),
        ],
        out_specs=pl.BlockSpec((1, 1), lambda i: (0, 0)),
        out_shape=jax.ShapeDtypeStruct((1, 1), jnp.float32),
        scratch_shapes=[
            pltpu.VMEM((NRP, D), jnp.float32),
            pltpu.VMEM((2, NRP), jnp.float32),
        ],
    )(x, W, ns2d, bnz)


def _data_body(x_ref, wr_ref, bnt_ref, sn_ref, out_ref):
    i = pl.program_id(0)
    xwr = x_ref[...] * wr_ref[...]
    ones = jnp.ones((1, D), jnp.float32)
    bt = bnt_ref[0:1, :]
    nt = bnt_ref[1:2, :]
    dlog = lax.dot_general(
        ones, xwr, (((1,), (1,)), ((), ())),
        precision=lax.Precision.HIGHEST,
        preferred_element_type=jnp.float32) + bt - NORM
    dp = jnp.exp(dlog)
    rnn = dlog - jnp.log(dp + NR * nt)
    tot = jnp.sum(rnn, axis=1, keepdims=True)
    prev = jnp.where(i == 0, 0.0, out_ref[...])
    out_ref[...] = prev + tot

    @pl.when(i == GSTEPS - 1)
    def _():
        out_ref[...] = (out_ref[...] + sn_ref[...]) * (-1.0 / B)


def _tc_data(x, wr, bnt, sn):
    return pl.pallas_call(
        _data_body,
        grid=(GSTEPS,),
        in_specs=[
            pl.BlockSpec((BLK, D), lambda i: (i, 0)),
            pl.BlockSpec((BLK, D), lambda i: (i, 0)),
            pl.BlockSpec((BNW, BLK), lambda i: (0, i)),
            pl.BlockSpec((1, 1), lambda i: (0, 0)),
        ],
        out_specs=pl.BlockSpec((1, 1), lambda i: (0, 0)),
        out_shape=jax.ShapeDtypeStruct((1, 1), jnp.float32),
    )(x, wr, bnt, sn)


def kernel(input, target, W, b, noise, noise_samples):
    target = target.astype(jnp.int32)
    ns_pad = jnp.concatenate(
        [noise_samples.astype(jnp.int32), jnp.zeros((NRP - NR,), jnp.int32)])
    ns2d = jnp.broadcast_to(ns_pad[:, None], (NRP, 8))
    bnz = jnp.concatenate(
        [b[:, None], noise[:, None], jnp.zeros((NTOK, 6), jnp.float32)],
        axis=1)
    wr, bnt = _sc_gather(W, b, noise, target)
    sn = _tc_noise(input, W, ns2d, bnz)
    out = _tc_data(input, wr, bnt, sn)
    return out[0, 0]

# --- scband reference (transcript-rebuilt; emitter-appended) ---
"""Pipeline reference for scband-nceloss-3882650436398 (READ-ONLY COPY).

The authoritative reference and input builder live on the scoring server;
editing this copy changes nothing except your own understanding.
"""

import jax, jax.numpy as jnp
import numpy as np

NTOKENS = 1000
NHIDDEN = 128
NOISE_RATIO = 50
NORM_TERM = 9.0
BATCH = 16384


def setup_inputs(seed: int = 0) -> dict:
    key = jax.random.key(seed)
    k1, k2, k3, k4 = jax.random.split(key, 4)
    inp = jax.random.normal(k1, (BATCH, NHIDDEN), dtype=jnp.float32)
    target = jax.random.randint(k2, (BATCH,), 0, NTOKENS, dtype=jnp.int64 if jax.config.jax_enable_x64 else jnp.int32)
    # decoder params (IndexLinear.reset_parameters: weight ~ U(-0.1, 0.1), bias = 0)
    W = jax.random.uniform(k3, (NTOKENS, NHIDDEN), dtype=jnp.float32, minval=-0.1, maxval=0.1)
    b = jnp.zeros((NTOKENS,), dtype=jnp.float32)
    # uniform unigram noise distribution
    noise = jnp.full((NTOKENS,), 1.0 / NTOKENS, dtype=jnp.float32)
    # AliasMethod.draw with a uniform distribution is equivalent to uniform randint;
    # the torch module draws ONE set of noise samples and repeats it for every row.
    noise_samples = jax.random.randint(k4, (NOISE_RATIO,), 0, NTOKENS, dtype=target.dtype)
    return {"input": inp, "target": target, "W": W, "b": b, "noise": noise, "noise_samples": noise_samples}


def reference(input, target, W, b, noise, noise_samples):
    N = input.shape[0]
    ns = jnp.tile(noise_samples[None, :], (N, 1))  # (N, Nr)
    indices = jnp.concatenate([target[:, None], ns], axis=1)  # (N, 1+Nr)
    # IndexLinear: gather rows of decoder weight/bias, then per-row dot products
    w_rows = jnp.take(W, indices, axis=0)          # (N, 1+Nr, E)
    bias = jnp.take(b, indices, axis=0)            # (N, 1+Nr)
    logits = jnp.einsum('ne,nke->nk', input, w_rows) + bias  # (N, 1+Nr)
    probs = jnp.exp(logits - NORM_TERM)
    data_prob = probs[:, 0]
    noise_in_data_probs = probs[:, 1:]
    noise_probs = jnp.take(noise, ns, axis=0)      # (N, Nr)
    k = float(NOISE_RATIO)
    rnn_loss = jnp.log(data_prob / (data_prob + k * jnp.take(noise, target, axis=0)))
    noise_loss = jnp.sum(jnp.log(k * noise_probs / (noise_in_data_probs + k * noise_probs)), axis=1)
    loss = -1.0 * jnp.sum(rnn_loss + noise_loss)
    loss = loss / N  # size_average
    return loss


if False:  # reference __main__ guard neutralized (emitter)
    out = reference(**setup_inputs())
    print(out)

if __name__ == "__main__":
    import jax
    _d = setup_inputs()
    print(jax.jit(kernel)(*tuple(_d.values())))

</pallas_src>

<mosaic_0001>
#map = affine_map<(d0, d1) -> (0, 0)>
#map1 = affine_map<(d0, d1) -> (0)>
module attributes {stable_mosaic.version = 14 : i64} {
  func.func @k(%arg0: i32, %arg1: i32, %arg2: memref<1000x128xf32, #tpu.memory_space<hbm>>, %arg3: memref<1000xf32, #tpu.memory_space<hbm>>, %arg4: memref<1000xf32, #tpu.memory_space<hbm>>, %arg5: memref<16384xi32, #tpu.memory_space<hbm>>, %arg6: memref<16384x128xf32, #tpu.memory_space<hbm>>, %arg7: memref<8x16384xf32, #tpu.memory_space<hbm>>, %arg8: memref<4x128xi32, #tpu.memory_space<vmem>>, %arg9: memref<128x128xf32, #tpu.memory_space<vmem>>, %arg10: memref<128x128xf32, #tpu.memory_space<vmem>>, %arg11: memref<8x512xf32, #tpu.memory_space<vmem>>, %arg12: memref<1000xf32, #tpu.memory_space<vmem>>, %arg13: memref<1000xf32, #tpu.memory_space<vmem>>, %arg14: memref<!tpu.dma_semaphore, #tpu.memory_space<semaphore_mem>>, %arg15: memref<!tpu.dma_semaphore, #tpu.memory_space<semaphore_mem>>, %arg16: memref<!tpu.dma_semaphore, #tpu.memory_space<semaphore_mem>>, %arg17: memref<!tpu.dma_semaphore, #tpu.memory_space<semaphore_mem>>) attributes {dimension_semantics = [#tpu.dimension_semantics<core_parallel>, #tpu.dimension_semantics<subcore_parallel>], iteration_bounds = array<i64: 2, 16>, scalar_prefetch = 0 : i64, scratch_operands = 10 : i64, tpu.core_type = #tpu.core_type<sc_vector_subcore>, window_params = [{transform_indices = #map}, {transform_indices = #map1}, {transform_indices = #map1}, {transform_indices = #map1}, {transform_indices = #map}, {transform_indices = #map}]} {
    %mul3A = arith.constant 2 : i32
    %mul3A_0 = arith.muli %arg1, %mul3A : i32
    %add3A = arith.addi %mul3A_0, %arg0 : i32
    %mul3A_1 = arith.constant 512 : i32
    %mul3A_2 = arith.muli %add3A, %mul3A_1 : i32
    %add3A_3 = arith.constant 0 : i32
    %add3A_4 = arith.addi %mul3A_2, %add3A_3 : i32
    %dma_start3A = arith.constant 0 : i32
    %dma_start3A_5 = arith.constant 0 : i32
    %dma_start3A_6 = tpu.memref_slice %arg8[%dma_start3A, %dma_start3A_5] : memref<4x128xi32, #tpu.memory_space<vmem>> -> memref<1x128xi32, #tpu.memory_space<vmem>>
    %dma_start3A_7 = tpu.memref_squeeze %dma_start3A_6 : memref<1x128xi32, #tpu.memory_space<vmem>> -> memref<128xi32, #tpu.memory_space<vmem>>
    %dma_start3A_8 = tpu.memref_slice %arg5[%add3A_4] : memref<16384xi32, #tpu.memory_space<hbm>> -> memref<128xi32, #tpu.memory_space<hbm>>
    %dma_start3A_9 = arith.constant 0 : i32
    %dma_start3A_10 = tpu.memref_slice %arg8[%dma_start3A, %dma_start3A_9] : memref<4x128xi32, #tpu.memory_space<vmem>> -> memref<1x128xi32, #tpu.memory_space<vmem>>
    %dma_start3A_11 = tpu.memref_squeeze %dma_start3A_10 : memref<1x128xi32, #tpu.memory_space<vmem>> -> memref<128xi32, #tpu.memory_space<vmem>>
    %dma_start3A_12 = tpu.memref_slice %arg5[%add3A_4] : memref<16384xi32, #tpu.memory_space<hbm>> -> memref<128xi32, #tpu.memory_space<hbm>>
    tpu.enqueue_dma source(%dma_start3A_12 : memref<128xi32, #tpu.memory_space<hbm>>) target(%dma_start3A_11 : memref<128xi32, #tpu.memory_space<vmem>>) target_semaphore(%arg14 : memref<!tpu.dma_semaphore, #tpu.memory_space<semaphore_mem>>)
    %add3A_13 = arith.constant 128 : i32
    %add3A_14 = arith.addi %mul3A_2, %add3A_13 : i32
    %dma_start3A_15 = arith.constant 1 : i32
    %dma_start3A_16 = arith.constant 0 : i32
    %dma_start3A_17 = tpu.memref_slice %arg8[%dma_start3A_15, %dma_start3A_16] : memref<4x128xi32, #tpu.memory_space<vmem>> -> memref<1x128xi32, #tpu.memory_space<vmem>>
    %dma_start3A_18 = tpu.memref_squeeze %dma_start3A_17 : memref<1x128xi32, #tpu.memory_space<vmem>> -> memref<128xi32, #tpu.memory_space<vmem>>
    %dma_start3A_19 = tpu.memref_slice %arg5[%add3A_14] : memref<16384xi32, #tpu.memory_space<hbm>> -> memref<128xi32, #tpu.memory_space<hbm>>
    %dma_start3A_20 = arith.constant 0 : i32
    %dma_start3A_21 = tpu.memref_slice %arg8[%dma_start3A_15, %dma_start3A_20] : memref<4x128xi32, #tpu.memory_space<vmem>> -> memref<1x128xi32, #tpu.memory_space<vmem>>
    %dma_start3A_22 = tpu.memref_squeeze %dma_start3A_21 : memref<1x128xi32, #tpu.memory_space<vmem>> -> memref<128xi32, #tpu.memory_space<vmem>>
    %dma_start3A_23 = tpu.memref_slice %arg5[%add3A_14] : memref<16384xi32, #tpu.memory_space<hbm>> -> memref<128xi32, #tpu.memory_space<hbm>>
    tpu.enqueue_dma source(%dma_start3A_23 : memref<128xi32, #tpu.memory_space<hbm>>) target(%dma_start3A_22 : memref<128xi32, #tpu.memory_space<vmem>>) target_semaphore(%arg14 : memref<!tpu.dma_semaphore, #tpu.memory_space<semaphore_mem>>)
    %add3A_24 = arith.constant 256 : i32
    %add3A_25 = arith.addi %mul3A_2, %add3A_24 : i32
    %dma_start3A_26 = arith.constant 2 : i32
    %dma_start3A_27 = arith.constant 0 : i32
    %dma_start3A_28 = tpu.memref_slice %arg8[%dma_start3A_26, %dma_start3A_27] : memref<4x128xi32, #tpu.memory_space<vmem>> -> memref<1x128xi32, #tpu.memory_space<vmem>>
    %dma_start3A_29 = tpu.memref_squeeze %dma_start3A_28 : memref<1x128xi32, #tpu.memory_space<vmem>> -> memref<128xi32, #tpu.memory_space<vmem>>
    %dma_start3A_30 = tpu.memref_slice %arg5[%add3A_25] : memref<16384xi32, #tpu.memory_space<hbm>> -> memref<128xi32, #tpu.memory_space<hbm>>
    %dma_start3A_31 = arith.constant 0 : i32
    %dma_start3A_32 = tpu.memref_slice %arg8[%dma_start3A_26, %dma_start3A_31] : memref<4x128xi32, #tpu.memory_space<vmem>> -> memref<1x128xi32, #tpu.memory_space<vmem>>
    %dma_start3A_33 = tpu.memref_squeeze %dma_start3A_32 : memref<1x128xi32, #tpu.memory_space<vmem>> -> memref<128xi32, #tpu.memory_space<vmem>>
    %dma_start3A_34 = tpu.memref_slice %arg5[%add3A_25] : memref<16384xi32, #tpu.memory_space<hbm>> -> memref<128xi32, #tpu.memory_space<hbm>>
    tpu.enqueue_dma source(%dma_start3A_34 : memref<128xi32, #tpu.memory_space<hbm>>) target(%dma_start3A_33 : memref<128xi32, #tpu.memory_space<vmem>>) target_semaphore(%arg14 : memref<!tpu.dma_semaphore, #tpu.memory_space<semaphore_mem>>)
    %add3A_35 = arith.constant 384 : i32
    %add3A_36 = arith.addi %mul3A_2, %add3A_35 : i32
    %dma_start3A_37 = arith.constant 3 : i32
    %dma_start3A_38 = arith.constant 0 : i32
    %dma_start3A_39 = tpu.memref_slice %arg8[%dma_start3A_37, %dma_start3A_38] : memref<4x128xi32, #tpu.memory_space<vmem>> -> memref<1x128xi32, #tpu.memory_space<vmem>>
    %dma_start3A_40 = tpu.memref_squeeze %dma_start3A_39 : memref<1x128xi32, #tpu.memory_space<vmem>> -> memref<128xi32, #tpu.memory_space<vmem>>
    %dma_start3A_41 = tpu.memref_slice %arg5[%add3A_36] : memref<16384xi32, #tpu.memory_space<hbm>> -> memref<128xi32, #tpu.memory_space<hbm>>
    %dma_start3A_42 = arith.constant 0 : i32
    %dma_start3A_43 = tpu.memref_slice %arg8[%dma_start3A_37, %dma_start3A_42] : memref<4x128xi32, #tpu.memory_space<vmem>> -> memref<1x128xi32, #tpu.memory_space<vmem>>
    %dma_start3A_44 = tpu.memref_squeeze %dma_start3A_43 : memref<1x128xi32, #tpu.memory_space<vmem>> -> memref<128xi32, #tpu.memory_space<vmem>>
    %dma_start3A_45 = tpu.memref_slice %arg5[%add3A_36] : memref<16384xi32, #tpu.memory_space<hbm>> -> memref<128xi32, #tpu.memory_space<hbm>>
    tpu.enqueue_dma source(%dma_start3A_45 : memref<128xi32, #tpu.memory_space<hbm>>) target(%dma_start3A_44 : memref<128xi32, #tpu.memory_space<vmem>>) target_semaphore(%arg14 : memref<!tpu.dma_semaphore, #tpu.memory_space<semaphore_mem>>)
    tpu.enqueue_dma source(%arg3 : memref<1000xf32, #tpu.memory_space<hbm>>) target(%arg12 : memref<1000xf32, #tpu.memory_space<vmem>>) target_semaphore(%arg15 : memref<!tpu.dma_semaphore, #tpu.memory_space<semaphore_mem>>)
    tpu.enqueue_dma source(%arg4 : memref<1000xf32, #tpu.memory_space<hbm>>) target(%arg13 : memref<1000xf32, #tpu.memory_space<vmem>>) target_semaphore(%arg15 : memref<!tpu.dma_semaphore, #tpu.memory_space<semaphore_mem>>)
    %dma_wait3A = arith.constant 0 : i32
    %dma_wait3A_46 = arith.constant 0 : i32
    %dma_wait3A_47 = tpu.memref_slice %arg8[%dma_wait3A, %dma_wait3A_46] : memref<4x128xi32, #tpu.memory_space<vmem>> -> memref<1x128xi32, #tpu.memory_space<vmem>>
    %dma_wait3A_48 = tpu.memref_squeeze %dma_wait3A_47 : memref<1x128xi32, #tpu.memory_space<vmem>> -> memref<128xi32, #tpu.memory_space<vmem>>
    %dma_wait3A_49 = tpu.memref_slice %arg5[%add3A_4] : memref<16384xi32, #tpu.memory_space<hbm>> -> memref<128xi32, #tpu.memory_space<hbm>>
    %dma_wait3A_50 = arith.constant 0 : i32
    %dma_wait3A_51 = tpu.memref_slice %arg8[%dma_wait3A, %dma_wait3A_50] : memref<4x128xi32, #tpu.memory_space<vmem>> -> memref<1x128xi32, #tpu.memory_space<vmem>>
    %dma_wait3A_52 = tpu.memref_squeeze %dma_wait3A_51 : memref<1x128xi32, #tpu.memory_space<vmem>> -> memref<128xi32, #tpu.memory_space<vmem>>
    %dma_wait3A_53 = tpu.memref_slice %arg5[%add3A_4] : memref<16384xi32, #tpu.memory_space<hbm>> -> memref<128xi32, #tpu.memory_space<hbm>>
    tpu.wait_dma2 semaphore(%arg14 : memref<!tpu.dma_semaphore, #tpu.memory_space<semaphore_mem>>) src(%dma_wait3A_53 : memref<128xi32, #tpu.memory_space<hbm>>) dst(%dma_wait3A_52 : memref<128xi32, #tpu.memory_space<vmem>>)
    %dma_wait3A_54 = arith.constant 1 : i32
    %dma_wait3A_55 = arith.constant 0 : i32
    %dma_wait3A_56 = tpu.memref_slice %arg8[%dma_wait3A_54, %dma_wait3A_55] : memref<4x128xi32, #tpu.memory_space<vmem>> -> memref<1x128xi32, #tpu.memory_space<vmem>>
    %dma_wait3A_57 = tpu.memref_squeeze %dma_wait3A_56 : memref<1x128xi32, #tpu.memory_space<vmem>> -> memref<128xi32, #tpu.memory_space<vmem>>
    %dma_wait3A_58 = tpu.memref_slice %arg5[%add3A_14] : memref<16384xi32, #tpu.memory_space<hbm>> -> memref<128xi32, #tpu.memory_space<hbm>>
    %dma_wait3A_59 = arith.constant 0 : i32
    %dma_wait3A_60 = tpu.memref_slice %arg8[%dma_wait3A_54, %dma_wait3A_59] : memref<4x128xi32, #tpu.memory_space<vmem>> -> memref<1x128xi32, #tpu.memory_space<vmem>>
    %dma_wait3A_61 = tpu.memref_squeeze %dma_wait3A_60 : memref<1x128xi32, #tpu.memory_space<vmem>> -> memref<128xi32, #tpu.memory_space<vmem>>
    %dma_wait3A_62 = tpu.memref_slice %arg5[%add3A_14] : memref<16384xi32, #tpu.memory_space<hbm>> -> memref<128xi32, #tpu.memory_space<hbm>>
    tpu.wait_dma2 semaphore(%arg14 : memref<!tpu.dma_semaphore, #tpu.memory_space<semaphore_mem>>) src(%dma_wait3A_62 : memref<128xi32, #tpu.memory_space<hbm>>) dst(%dma_wait3A_61 : memref<128xi32, #tpu.memory_space<vmem>>)
    %dma_wait3A_63 = arith.constant 2 : i32
    %dma_wait3A_64 = arith.constant 0 : i32
    %dma_wait3A_65 = tpu.memref_slice %arg8[%dma_wait3A_63, %dma_wait3A_64] : memref<4x128xi32, #tpu.memory_space<vmem>> -> memref<1x128xi32, #tpu.memory_space<vmem>>
    %dma_wait3A_66 = tpu.memref_squeeze %dma_wait3A_65 : memref<1x128xi32, #tpu.memory_space<vmem>> -> memref<128xi32, #tpu.memory_space<vmem>>
    %dma_wait3A_67 = tpu.memref_slice %arg5[%add3A_25] : memref<16384xi32, #tpu.memory_space<hbm>> -> memref<128xi32, #tpu.memory_space<hbm>>
    %dma_wait3A_68 = arith.constant 0 : i32
    %dma_wait3A_69 = tpu.memref_slice %arg8[%dma_wait3A_63, %dma_wait3A_68] : memref<4x128xi32, #tpu.memory_space<vmem>> -> memref<1x128xi32, #tpu.memory_space<vmem>>
    %dma_wait3A_70 = tpu.memref_squeeze %dma_wait3A_69 : memref<1x128xi32, #tpu.memory_space<vmem>> -> memref<128xi32, #tpu.memory_space<vmem>>
    %dma_wait3A_71 = tpu.memref_slice %arg5[%add3A_25] : memref<16384xi32, #tpu.memory_space<hbm>> -> memref<128xi32, #tpu.memory_space<hbm>>
    tpu.wait_dma2 semaphore(%arg14 : memref<!tpu.dma_semaphore, #tpu.memory_space<semaphore_mem>>) src(%dma_wait3A_71 : memref<128xi32, #tpu.memory_space<hbm>>) dst(%dma_wait3A_70 : memref<128xi32, #tpu.memory_space<vmem>>)
    %dma_wait3A_72 = arith.constant 3 : i32
    %dma_wait3A_73 = arith.constant 0 : i32
    %dma_wait3A_74 = tpu.memref_slice %arg8[%dma_wait3A_72, %dma_wait3A_73] : memref<4x128xi32, #tpu.memory_space<vmem>> -> memref<1x128xi32, #tpu.memory_space<vmem>>
    %dma_wait3A_75 = tpu.memref_squeeze %dma_wait3A_74 : memref<1x128xi32, #tpu.memory_space<vmem>> -> memref<128xi32, #tpu.memory_space<vmem>>
    %dma_wait3A_76 = tpu.memref_slice %arg5[%add3A_36] : memref<16384xi32, #tpu.memory_space<hbm>> -> memref<128xi32, #tpu.memory_space<hbm>>
    %dma_wait3A_77 = arith.constant 0 : i32
    %dma_wait3A_78 = tpu.memref_slice %arg8[%dma_wait3A_72, %dma_wait3A_77] : memref<4x128xi32, #tpu.memory_space<vmem>> -> memref<1x128xi32, #tpu.memory_space<vmem>>
    %dma_wait3A_79 = tpu.memref_squeeze %dma_wait3A_78 : memref<1x128xi32, #tpu.memory_space<vmem>> -> memref<128xi32, #tpu.memory_space<vmem>>
    %dma_wait3A_80 = tpu.memref_slice %arg5[%add3A_36] : memref<16384xi32, #tpu.memory_space<hbm>> -> memref<128xi32, #tpu.memory_space<hbm>>
    tpu.wait_dma2 semaphore(%arg14 : memref<!tpu.dma_semaphore, #tpu.memory_space<semaphore_mem>>) src(%dma_wait3A_80 : memref<128xi32, #tpu.memory_space<hbm>>) dst(%dma_wait3A_79 : memref<128xi32, #tpu.memory_space<vmem>>)
    %dma_start3A_81 = arith.constant 0 : i32
    %dma_start3A_82 = arith.constant 0 : i32
    %dma_start3A_83 = tpu.memref_slice %arg8[%dma_start3A_81, %dma_start3A_82] : memref<4x128xi32, #tpu.memory_space<vmem>> -> memref<1x128xi32, #tpu.memory_space<vmem>>
    %dma_start3A_84 = tpu.memref_squeeze %dma_start3A_83 : memref<1x128xi32, #tpu.memory_space<vmem>> -> memref<128xi32, #tpu.memory_space<vmem>>
    %dma_start3A_85 = arith.constant 0 : i32
    %dma_start3A_86 = arith.constant 0 : i32
    %dma_start3A_87 = tpu.memref_slice %arg2[%dma_start3A_85, %dma_start3A_86] : memref<1000x128xf32, #tpu.memory_space<hbm>> -> memref<1000x128xf32, #tpu.memory_space<hbm>>
    tpu.enqueue_indirect_dma source(%dma_start3A_87 : memref<1000x128xf32, #tpu.memory_space<hbm>>) target(%arg9 : memref<128x128xf32, #tpu.memory_space<vmem>>) offsets(%dma_start3A_84 : memref<128xi32, #tpu.memory_space<vmem>>) semaphore(%arg16 : memref<!tpu.dma_semaphore, #tpu.memory_space<semaphore_mem>>)
    tpu.wait_dma2 semaphore(%arg15 : memref<!tpu.dma_semaphore, #tpu.memory_space<semaphore_mem>>) src(%arg3 : memref<1000xf32, #tpu.memory_space<hbm>>) dst(%arg12 : memref<1000xf32, #tpu.memory_space<vmem>>)
    tpu.wait_dma2 semaphore(%arg15 : memref<!tpu.dma_semaphore, #tpu.memory_space<semaphore_mem>>) src(%arg4 : memref<1000xf32, #tpu.memory_space<hbm>>) dst(%arg13 : memref<1000xf32, #tpu.memory_space<vmem>>)
    %iota3A = tpu.iota {dimensions = array<i32: 0>} : vector<16xi32>
    %broadcast_in_dim3A = arith.constant 0 : i32
    %broadcast_in_dim3A_88 = vector.broadcast %broadcast_in_dim3A : i32 to vector<16xi32>
    %add3A_89 = arith.constant 1 : i32
    %add3A_90 = vector.broadcast %add3A_89 : i32 to vector<16xi32>
    %add3A_91 = arith.addi %broadcast_in_dim3A_88, %add3A_90 : vector<16xi32>
    %get3A = arith.constant 0 : i32
    %get3A_92 = arith.index_cast %get3A : i32 to index
    %get3A_93 = arith.constant 0 : index
    %get3A_94 = tpu.vector_load %arg8[%get3A_92, %get3A_93] {strides = array<i32>} : memref<4x128xi32, #tpu.memory_space<vmem>>, vector<16xi32>,
    %gather3A = tpu.vector_load_idx %arg12[%get3A_94] : memref<1000xf32, #tpu.memory_space<vmem>>[vector<16xi32>], vector<16xf32>,
    %gather3A_95 = tpu.vector_load_idx %arg13[%get3A_94] : memref<1000xf32, #tpu.memory_space<vmem>>[vector<16xi32>], vector<16xf32>,
    %add3A_96 = arith.constant 0 : i32
    %add3A_97 = vector.broadcast %add3A_96 : i32 to vector<16xi32>
    %add3A_98 = arith.addi %add3A_97, %iota3A : vector<16xi32>
    tpu.vector_store_idx %arg11[%broadcast_in_dim3A_88, %add3A_98], %gather3A : memref<8x512xf32, #tpu.memory_space<vmem>>[vector<16xi32>, vector<16xi32>], vector<16xf32>,
    tpu.vector_store_idx %arg11[%add3A_91, %add3A_98], %gather3A_95 : memref<8x512xf32, #tpu.memory_space<vmem>>[vector<16xi32>, vector<16xi32>], vector<16xf32>,
    %get3A_99 = arith.constant 0 : i32
    %get3A_100 = arith.index_cast %get3A_99 : i32 to index
    %get3A_101 = arith.constant 16 : index
    %get3A_102 = tpu.vector_load %arg8[%get3A_100, %get3A_101] {strides = array<i32>} : memref<4x128xi32, #tpu.memory_space<vmem>>, vector<16xi32>,
    %gather3A_103 = tpu.vector_load_idx %arg12[%get3A_102] : memref<1000xf32, #tpu.memory_space<vmem>>[vector<16xi32>], vector<16xf32>,
    %gather3A_104 = tpu.vector_load_idx %arg13[%get3A_102] : memref<1000xf32, #tpu.memory_space<vmem>>[vector<16xi32>], vector<16xf32>,
    %add3A_105 = arith.constant 16 : i32
    %add3A_106 = vector.broadcast %add3A_105 : i32 to vector<16xi32>
    %add3A_107 = arith.addi %add3A_106, %iota3A : vector<16xi32>
    tpu.vector_store_idx %arg11[%broadcast_in_dim3A_88, %add3A_107], %gather3A_103 : memref<8x512xf32, #tpu.memory_space<vmem>>[vector<16xi32>, vector<16xi32>], vector<16xf32>,
    tpu.vector_store_idx %arg11[%add3A_91, %add3A_107], %gather3A_104 : memref<8x512xf32, #tpu.memory_space<vmem>>[vector<16xi32>, vector<16xi32>], vector<16xf32>,
    %get3A_108 = arith.constant 0 : i32
    %get3A_109 = arith.index_cast %get3A_108 : i32 to index
    %get3A_110 = arith.constant 32 : index
    %get3A_111 = tpu.vector_load %arg8[%get3A_109, %get3A_110] {strides = array<i32>} : memref<4x128xi32, #tpu.memory_space<vmem>>, vector<16xi32>,
    %gather3A_112 = tpu.vector_load_idx %arg12[%get3A_111] : memref<1000xf32, #tpu.memory_space<vmem>>[vector<16xi32>], vector<16xf32>,
    %gather3A_113 = tpu.vector_load_idx %arg13[%get3A_111] : memref<1000xf32, #tpu.memory_space<vmem>>[vector<16xi32>], vector<16xf32>,
    %add3A_114 = arith.constant 32 : i32
    %add3A_115 = vector.broadcast %add3A_114 : i32 to vector<16xi32>
    %add3A_116 = arith.addi %add3A_115, %iota3A : vector<16xi32>
    tpu.vector_store_idx %arg11[%broadcast_in_dim3A_88, %add3A_116], %gather3A_112 : memref<8x512xf32, #tpu.memory_space<vmem>>[vector<16xi32>, vector<16xi32>], vector<16xf32>,
    tpu.vector_store_idx %arg11[%add3A_91, %add3A_116], %gather3A_113 : memref<8x512xf32, #tpu.memory_space<vmem>>[vector<16xi32>, vector<16xi32>], vector<16xf32>,
    %get3A_117 = arith.constant 0 : i32
    %get3A_118 = arith.index_cast %get3A_117 : i32 to index
    %get3A_119 = arith.constant 48 : index
    %get3A_120 = tpu.vector_load %arg8[%get3A_118, %get3A_119] {strides = array<i32>} : memref<4x128xi32, #tpu.memory_space<vmem>>, vector<16xi32>,
    %gather3A_121 = tpu.vector_load_idx %arg12[%get3A_120] : memref<1000xf32, #tpu.memory_space<vmem>>[vector<16xi32>], vector<16xf32>,
    %gather3A_122 = tpu.vector_load_idx %arg13[%get3A_120] : memref<1000xf32, #tpu.memory_space<vmem>>[vector<16xi32>], vector<16xf32>,
    %add3A_123 = arith.constant 48 : i32
    %add3A_124 = vector.broadcast %add3A_123 : i32 to vector<16xi32>
    %add3A_125 = arith.addi %add3A_124, %iota3A : vector<16xi32>
    tpu.vector_store_idx %arg11[%broadcast_in_dim3A_88, %add3A_125], %gather3A_121 : memref<8x512xf32, #tpu.memory_space<vmem>>[vector<16xi32>, vector<16xi32>], vector<16xf32>,
    tpu.vector_store_idx %arg11[%add3A_91, %add3A_125], %gather3A_122 : memref<8x512xf32, #tpu.memory_space<vmem>>[vector<16xi32>, vector<16xi32>], vector<16xf32>,
    %get3A_126 = arith.constant 0 : i32
    %get3A_127 = arith.index_cast %get3A_126 : i32 to index
    %get3A_128 = arith.constant 64 : index
    %get3A_129 = tpu.vector_load %arg8[%get3A_127, %get3A_128] {strides = array<i32>} : memref<4x128xi32, #tpu.memory_space<vmem>>, vector<16xi32>,
    %gather3A_130 = tpu.vector_load_idx %arg12[%get3A_129] : memref<1000xf32, #tpu.memory_space<vmem>>[vector<16xi32>], vector<16xf32>,
    %gather3A_131 = tpu.vector_load_idx %arg13[%get3A_129] : memref<1000xf32, #tpu.memory_space<vmem>>[vector<16xi32>], vector<16xf32>,
    %add3A_132 = arith.constant 64 : i32
    %add3A_133 = vector.broadcast %add3A_132 : i32 to vector<16xi32>
    %add3A_134 = arith.addi %add3A_133, %iota3A : vector<16xi32>
    tpu.vector_store_idx %arg11[%broadcast_in_dim3A_88, %add3A_134], %gather3A_130 : memref<8x512xf32, #tpu.memory_space<vmem>>[vector<16xi32>, vector<16xi32>], vector<16xf32>,
    tpu.vector_store_idx %arg11[%add3A_91, %add3A_134], %gather3A_131 : memref<8x512xf32, #tpu.memory_space<vmem>>[vector<16xi32>, vector<16xi32>], vector<16xf32>,
    %get3A_135 = arith.constant 0 : i32
    %get3A_136 = arith.index_cast %get3A_135 : i32 to index
    %get3A_137 = arith.constant 80 : index
    %get3A_138 = tpu.vector_load %arg8[%get3A_136, %get3A_137] {strides = array<i32>} : memref<4x128xi32, #tpu.memory_space<vmem>>, vector<16xi32>,
    %gather3A_139 = tpu.vector_load_idx %arg12[%get3A_138] : memref<1000xf32, #tpu.memory_space<vmem>>[vector<16xi32>], vector<16xf32>,
    %gather3A_140 = tpu.vector_load_idx %arg13[%get3A_138] : memref<1000xf32, #tpu.memory_space<vmem>>[vector<16xi32>], vector<16xf32>,
    %add3A_141 = arith.constant 80 : i32
    %add3A_142 = vector.broadcast %add3A_141 : i32 to vector<16xi32>
    %add3A_143 = arith.addi %add3A_142, %iota3A : vector<16xi32>
    tpu.vector_store_idx %arg11[%broadcast_in_dim3A_88, %add3A_143], %gather3A_139 : memref<8x512xf32, #tpu.memory_space<vmem>>[vector<16xi32>, vector<16xi32>], vector<16xf32>,
    tpu.vector_store_idx %arg11[%add3A_91, %add3A_143], %gather3A_140 : memref<8x512xf32, #tpu.memory_space<vmem>>[vector<16xi32>, vector<16xi32>], vector<16xf32>,
    %get3A_144 = arith.constant 0 : i32
    %get3A_145 = arith.index_cast %get3A_144 : i32 to index
    %get3A_146 = arith.constant 96 : index
    %get3A_147 = tpu.vector_load %arg8[%get3A_145, %get3A_146] {strides = array<i32>} : memref<4x128xi32, #tpu.memory_space<vmem>>, vector<16xi32>,
    %gather3A_148 = tpu.vector_load_idx %arg12[%get3A_147] : memref<1000xf32, #tpu.memory_space<vmem>>[vector<16xi32>], vector<16xf32>,
    %gather3A_149 = tpu.vector_load_idx %arg13[%get3A_147] : memref<1000xf32, #tpu.memory_space<vmem>>[vector<16xi32>], vector<16xf32>,
    %add3A_150 = arith.constant 96 : i32
    %add3A_151 = vector.broadcast %add3A_150 : i32 to vector<16xi32>
    %add3A_152 = arith.addi %add3A_151, %iota3A : vector<16xi32>
    tpu.vector_store_idx %arg11[%broadcast_in_dim3A_88, %add3A_152], %gather3A_148 : memref<8x512xf32, #tpu.memory_space<vmem>>[vector<16xi32>, vector<16xi32>], vector<16xf32>,
    tpu.vector_store_idx %arg11[%add3A_91, %add3A_152], %gather3A_149 : memref<8x512xf32, #tpu.memory_space<vmem>>[vector<16xi32>, vector<16xi32>], vector<16xf32>,
    %get3A_153 = arith.constant 0 : i32
    %get3A_154 = arith.index_cast %get3A_153 : i32 to index
    %get3A_155 = arith.constant 112 : index
    %get3A_156 = tpu.vector_load %arg8[%get3A_154, %get3A_155] {strides = array<i32>} : memref<4x128xi32, #tpu.memory_space<vmem>>, vector<16xi32>,
    %gather3A_157 = tpu.vector_load_idx %arg12[%get3A_156] : memref<1000xf32, #tpu.memory_space<vmem>>[vector<16xi32>], vector<16xf32>,
    %gather3A_158 = tpu.vector_load_idx %arg13[%get3A_156] : memref<1000xf32, #tpu.memory_space<vmem>>[vector<16xi32>], vector<16xf32>,
    %add3A_159 = arith.constant 112 : i32
    %add3A_160 = vector.broadcast %add3A_159 : i32 to vector<16xi32>
    %add3A_161 = arith.addi %add3A_160, %iota3A : vector<16xi32>
    tpu.vector_store_idx %arg11[%broadcast_in_dim3A_88, %add3A_161], %gather3A_157 : memref<8x512xf32, #tpu.memory_space<vmem>>[vector<16xi32>, vector<16xi32>], vector<16xf32>,
    tpu.vector_store_idx %arg11[%add3A_91, %add3A_161], %gather3A_158 : memref<8x512xf32, #tpu.memory_space<vmem>>[vector<16xi32>, vector<16xi32>], vector<16xf32>,
    %get3A_162 = arith.constant 1 : i32
    %get3A_163 = arith.index_cast %get3A_162 : i32 to index
    %get3A_164 = arith.constant 0 : index
    %get3A_165 = tpu.vector_load %arg8[%get3A_163, %get3A_164] {strides = array<i32>} : memref<4x128xi32, #tpu.memory_space<vmem>>, vector<16xi32>,
    %gather3A_166 = tpu.vector_load_idx %arg12[%get3A_165] : memref<1000xf32, #tpu.memory_space<vmem>>[vector<16xi32>], vector<16xf32>,
    %gather3A_167 = tpu.vector_load_idx %arg13[%get3A_165] : memref<1000xf32, #tpu.memory_space<vmem>>[vector<16xi32>], vector<16xf32>,
    %add3A_168 = arith.constant 128 : i32
    %add3A_169 = vector.broadcast %add3A_168 : i32 to vector<16xi32>
    %add3A_170 = arith.addi %add3A_169, %iota3A : vector<16xi32>
    tpu.vector_store_idx %arg11[%broadcast_in_dim3A_88, %add3A_170], %gather3A_166 : memref<8x512xf32, #tpu.memory_space<vmem>>[vector<16xi32>, vector<16xi32>], vector<16xf32>,
    tpu.vector_store_idx %arg11[%add3A_91, %add3A_170], %gather3A_167 : memref<8x512xf32, #tpu.memory_space<vmem>>[vector<16xi32>, vector<16xi32>], vector<16xf32>,
    %get3A_171 = arith.constant 1 : i32
    %get3A_172 = arith.index_cast %get3A_171 : i32 to index
    %get3A_173 = arith.constant 16 : index
    %get3A_174 = tpu.vector_load %arg8[%get3A_172, %get3A_173] {strides = array<i32>} : memref<4x128xi32, #tpu.memory_space<vmem>>, vector<16xi32>,
    %gather3A_175 = tpu.vector_load_idx %arg12[%get3A_174] : memref<1000xf32, #tpu.memory_space<vmem>>[vector<16xi32>], vector<16xf32>,
    %gather3A_176 = tpu.vector_load_idx %arg13[%get3A_174] : memref<1000xf32, #tpu.memory_space<vmem>>[vector<16xi32>], vector<16xf32>,
    %add3A_177 = arith.constant 144 : i32
    %add3A_178 = vector.broadcast %add3A_177 : i32 to vector<16xi32>
    %add3A_179 = arith.addi %add3A_178, %iota3A : vector<16xi32>
    tpu.vector_store_idx %arg11[%broadcast_in_dim3A_88, %add3A_179], %gather3A_175 : memref<8x512xf32, #tpu.memory_space<vmem>>[vector<16xi32>, vector<16xi32>], vector<16xf32>,
    tpu.vector_store_idx %arg11[%add3A_91, %add3A_179], %gather3A_176 : memref<8x512xf32, #tpu.memory_space<vmem>>[vector<16xi32>, vector<16xi32>], vector<16xf32>,
    %get3A_180 = arith.constant 1 : i32
    %get3A_181 = arith.index_cast %get3A_180 : i32 to index
    %get3A_182 = arith.constant 32 : index
    %get3A_183 = tpu.vector_load %arg8[%get3A_181, %get3A_182] {strides = array<i32>} : memref<4x128xi32, #tpu.memory_space<vmem>>, vector<16xi32>,
    %gather3A_184 = tpu.vector_load_idx %arg12[%get3A_183] : memref<1000xf32, #tpu.memory_space<vmem>>[vector<16xi32>], vector<16xf32>,
    %gather3A_185 = tpu.vector_load_idx %arg13[%get3A_183] : memref<1000xf32, #tpu.memory_space<vmem>>[vector<16xi32>], vector<16xf32>,
    %add3A_186 = arith.constant 160 : i32
    %add3A_187 = vector.broadcast %add3A_186 : i32 to vector<16xi32>
    %add3A_188 = arith.addi %add3A_187, %iota3A : vector<16xi32>
    tpu.vector_store_idx %arg11[%broadcast_in_dim3A_88, %add3A_188], %gather3A_184 : memref<8x512xf32, #tpu.memory_space<vmem>>[vector<16xi32>, vector<16xi32>], vector<16xf32>,
    tpu.vector_store_idx %arg11[%add3A_91, %add3A_188], %gather3A_185 : memref<8x512xf32, #tpu.memory_space<vmem>>[vector<16xi32>, vector<16xi32>], vector<16xf32>,
    %get3A_189 = arith.constant 1 : i32
    %get3A_190 = arith.index_cast %get3A_189 : i32 to index
    %get3A_191 = arith.constant 48 : index
    %get3A_192 = tpu.vector_load %arg8[%get3A_190, %get3A_191] {strides = array<i32>} : memref<4x128xi32, #tpu.memory_space<vmem>>, vector<16xi32>,
    %gather3A_193 = tpu.vector_load_idx %arg12[%get3A_192] : memref<1000xf32, #tpu.memory_space<vmem>>[vector<16xi32>], vector<16xf32>,
    %gather3A_194 = tpu.vector_load_idx %arg13[%get3A_192] : memref<1000xf32, #tpu.memory_space<vmem>>[vector<16xi32>], vector<16xf32>,
    %add3A_195 = arith.constant 176 : i32
    %add3A_196 = vector.broadcast %add3A_195 : i32 to vector<16xi32>
    %add3A_197 = arith.addi %add3A_196, %iota3A : vector<16xi32>
    tpu.vector_store_idx %arg11[%broadcast_in_dim3A_88, %add3A_197], %gather3A_193 : memref<8x512xf32, #tpu.memory_space<vmem>>[vector<16xi32>, vector<16xi32>], vector<16xf32>,
    tpu.vector_store_idx %arg11[%add3A_91, %add3A_197], %gather3A_194 : memref<8x512xf32, #tpu.memory_space<vmem>>[vector<16xi32>, vector<16xi32>], vector<16xf32>,
    %get3A_198 = arith.constant 1 : i32
    %get3A_199 = arith.index_cast %get3A_198 : i32 to index
    %get3A_200 = arith.constant 64 : index
    %get3A_201 = tpu.vector_load %arg8[%get3A_199, %get3A_200] {strides = array<i32>} : memref<4x128xi32, #tpu.memory_space<vmem>>, vector<16xi32>,
    %gather3A_202 = tpu.vector_load_idx %arg12[%get3A_201] : memref<1000xf32, #tpu.memory_space<vmem>>[vector<16xi32>], vector<16xf32>,
    %gather3A_203 = tpu.vector_load_idx %arg13[%get3A_201] : memref<1000xf32, #tpu.memory_space<vmem>>[vector<16xi32>], vector<16xf32>,
    %add3A_204 = arith.constant 192 : i32
    %add3A_205 = vector.broadcast %add3A_204 : i32 to vector<16xi32>
    %add3A_206 = arith.addi %add3A_205, %iota3A : vector<16xi32>
    tpu.vector_store_idx %arg11[%broadcast_in_dim3A_88, %add3A_206], %gather3A_202 : memref<8x512xf32, #tpu.memory_space<vmem>>[vector<16xi32>, vector<16xi32>], vector<16xf32>,
    tpu.vector_store_idx %arg11[%add3A_91, %add3A_206], %gather3A_203 : memref<8x512xf32, #tpu.memory_space<vmem>>[vector<16xi32>, vector<16xi32>], vector<16xf32>,
    %get3A_207 = arith.constant 1 : i32
    %get3A_208 = arith.index_cast %get3A_207 : i32 to index
    %get3A_209 = arith.constant 80 : index
    %get3A_210 = tpu.vector_load %arg8[%get3A_208, %get3A_209] {strides = array<i32>} : memref<4x128xi32, #tpu.memory_space<vmem>>, vector<16xi32>,
    %gather3A_211 = tpu.vector_load_idx %arg12[%get3A_210] : memref<1000xf32, #tpu.memory_space<vmem>>[vector<16xi32>], vector<16xf32>,
    %gather3A_212 = tpu.vector_load_idx %arg13[%get3A_210] : memref<1000xf32, #tpu.memory_space<vmem>>[vector<16xi32>], vector<16xf32>,
    %add3A_213 = arith.constant 208 : i32
    %add3A_214 = vector.broadcast %add3A_213 : i32 to vector<16xi32>
    %add3A_215 = arith.addi %add3A_214, %iota3A : vector<16xi32>
    tpu.vector_store_idx %arg11[%broadcast_in_dim3A_88, %add3A_215], %gather3A_211 : memref<8x512xf32, #tpu.memory_space<vmem>>[vector<16xi32>, vector<16xi32>], vector<16xf32>,
    tpu.vector_store_idx %arg11[%add3A_91, %add3A_215], %gather3A_212 : memref<8x512xf32, #tpu.memory_space<vmem>>[vector<16xi32>, vector<16xi32>], vector<16xf32>,
    %get3A_216 = arith.constant 1 : i32
    %get3A_217 = arith.index_cast %get3A_216 : i32 to index
    %get3A_218 = arith.constant 96 : index
    %get3A_219 = tpu.vector_load %arg8[%get3A_217, %get3A_218] {strides = array<i32>} : memref<4x128xi32, #tpu.memory_space<vmem>>, vector<16xi32>,
    %gather3A_220 = tpu.vector_load_idx %arg12[%get3A_219] : memref<1000xf32, #tpu.memory_space<vmem>>[vector<16xi32>], vector<16xf32>,
    %gather3A_221 = tpu.vector_load_idx %arg13[%get3A_219] : memref<1000xf32, #tpu.memory_space<vmem>>[vector<16xi32>], vector<16xf32>,
    %add3A_222 = arith.constant 224 : i32
    %add3A_223 = vector.broadcast %add3A_222 : i32 to vector<16xi32>
    %add3A_224 = arith.addi %add3A_223, %iota3A : vector<16xi32>
    tpu.vector_store_idx %arg11[%broadcast_in_dim3A_88, %add3A_224], %gather3A_220 : memref<8x512xf32, #tpu.memory_space<vmem>>[vector<16xi32>, vector<16xi32>], vector<16xf32>,
    tpu.vector_store_idx %arg11[%add3A_91, %add3A_224], %gather3A_221 : memref<8x512xf32, #tpu.memory_space<vmem>>[vector<16xi32>, vector<16xi32>], vector<16xf32>,
    %get3A_225 = arith.constant 1 : i32
    %get3A_226 = arith.index_cast %get3A_225 : i32 to index
    %get3A_227 = arith.constant 112 : index
    %get3A_228 = tpu.vector_load %arg8[%get3A_226, %get3A_227] {strides = array<i32>} : memref<4x128xi32, #tpu.memory_space<vmem>>, vector<16xi32>,
    %gather3A_229 = tpu.vector_load_idx %arg12[%get3A_228] : memref<1000xf32, #tpu.memory_space<vmem>>[vector<16xi32>], vector<16xf32>,
    %gather3A_230 = tpu.vector_load_idx %arg13[%get3A_228] : memref<1000xf32, #tpu.memory_space<vmem>>[vector<16xi32>], vector<16xf32>,
    %add3A_231 = arith.constant 240 : i32
    %add3A_232 = vector.broadcast %add3A_231 : i32 to vector<16xi32>
    %add3A_233 = arith.addi %add3A_232, %iota3A : vector<16xi32>
    tpu.vector_store_idx %arg11[%broadcast_in_dim3A_88, %add3A_233], %gather3A_229 : memref<8x512xf32, #tpu.memory_space<vmem>>[vector<16xi32>, vector<16xi32>], vector<16xf32>,
    tpu.vector_store_idx %arg11[%add3A_91, %add3A_233], %gather3A_230 : memref<8x512xf32, #tpu.memory_space<vmem>>[vector<16xi32>, vector<16xi32>], vector<16xf32>,
    %get3A_234 = arith.constant 2 : i32
    %get3A_235 = arith.index_cast %get3A_234 : i32 to index
    %get3A_236 = arith.constant 0 : index
    %get3A_237 = tpu.vector_load %arg8[%get3A_235, %get3A_236] {strides = array<i32>} : memref<4x128xi32, #tpu.memory_space<vmem>>, vector<16xi32>,
    %gather3A_238 = tpu.vector_load_idx %arg12[%get3A_237] : memref<1000xf32, #tpu.memory_space<vmem>>[vector<16xi32>], vector<16xf32>,
    %gather3A_239 = tpu.vector_load_idx %arg13[%get3A_237] : memref<1000xf32, #tpu.memory_space<vmem>>[vector<16xi32>], vector<16xf32>,
    %add3A_240 = arith.constant 256 : i32
    %add3A_241 = vector.broadcast %add3A_240 : i32 to vector<16xi32>
    %add3A_242 = arith.addi %add3A_241, %iota3A : vector<16xi32>
    tpu.vector_store_idx %arg11[%broadcast_in_dim3A_88, %add3A_242], %gather3A_238 : memref<8x512xf32, #tpu.memory_space<vmem>>[vector<16xi32>, vector<16xi32>], vector<16xf32>,
    tpu.vector_store_idx %arg11[%add3A_91, %add3A_242], %gather3A_239 : memref<8x512xf32, #tpu.memory_space<vmem>>[vector<16xi32>, vector<16xi32>], vector<16xf32>,
    %get3A_243 = arith.constant 2 : i32
    %get3A_244 = arith.index_cast %get3A_243 : i32 to index
    %get3A_245 = arith.constant 16 : index
    %get3A_246 = tpu.vector_load %arg8[%get3A_244, %get3A_245] {strides = array<i32>} : memref<4x128xi32, #tpu.memory_space<vmem>>, vector<16xi32>,
    %gather3A_247 = tpu.vector_load_idx %arg12[%get3A_246] : memref<1000xf32, #tpu.memory_space<vmem>>[vector<16xi32>], vector<16xf32>,
    %gather3A_248 = tpu.vector_load_idx %arg13[%get3A_246] : memref<1000xf32, #tpu.memory_space<vmem>>[vector<16xi32>], vector<16xf32>,
    %add3A_249 = arith.constant 272 : i32
    %add3A_250 = vector.broadcast %add3A_249 : i32 to vector<16xi32>
    %add3A_251 = arith.addi %add3A_250, %iota3A : vector<16xi32>
    tpu.vector_store_idx %arg11[%broadcast_in_dim3A_88, %add3A_251], %gather3A_247 : memref<8x512xf32, #tpu.memory_space<vmem>>[vector<16xi32>, vector<16xi32>], vector<16xf32>,
    tpu.vector_store_idx %arg11[%add3A_91, %add3A_251], %gather3A_248 : memref<8x512xf32, #tpu.memory_space<vmem>>[vector<16xi32>, vector<16xi32>], vector<16xf32>,
    %get3A_252 = arith.constant 2 : i32
    %get3A_253 = arith.index_cast %get3A_252 : i32 to index
    %get3A_254 = arith.constant 32 : index
    %get3A_255 = tpu.vector_load %arg8[%get3A_253, %get3A_254] {strides = array<i32>} : memref<4x128xi32, #tpu.memory_space<vmem>>, vector<16xi32>,
    %gather3A_256 = tpu.vector_load_idx %arg12[%get3A_255] : memref<1000xf32, #tpu.memory_space<vmem>>[vector<16xi32>], vector<16xf32>,
    %gather3A_257 = tpu.vector_load_idx %arg13[%get3A_255] : memref<1000xf32, #tpu.memory_space<vmem>>[vector<16xi32>], vector<16xf32>,
    %add3A_258 = arith.constant 288 : i32
    %add3A_259 = vector.broadcast %add3A_258 : i32 to vector<16xi32>
    %add3A_260 = arith.addi %add3A_259, %iota3A : vector<16xi32>
    tpu.vector_store_idx %arg11[%broadcast_in_dim3A_88, %add3A_260], %gather3A_256 : memref<8x512xf32, #tpu.memory_space<vmem>>[vector<16xi32>, vector<16xi32>], vector<16xf32>,
    tpu.vector_store_idx %arg11[%add3A_91, %add3A_260], %gather3A_257 : memref<8x512xf32, #tpu.memory_space<vmem>>[vector<16xi32>, vector<16xi32>], vector<16xf32>,
    %get3A_261 = arith.constant 2 : i32
    %get3A_262 = arith.index_cast %get3A_261 : i32 to index
    %get3A_263 = arith.constant 48 : index
    %get3A_264 = tpu.vector_load %arg8[%get3A_262, %get3A_263] {strides = array<i32>} : memref<4x128xi32, #tpu.memory_space<vmem>>, vector<16xi32>,
    %gather3A_265 = tpu.vector_load_idx %arg12[%get3A_264] : memref<1000xf32, #tpu.memory_space<vmem>>[vector<16xi32>], vector<16xf32>,
    %gather3A_266 = tpu.vector_load_idx %arg13[%get3A_264] : memref<1000xf32, #tpu.memory_space<vmem>>[vector<16xi32>], vector<16xf32>,
    %add3A_267 = arith.constant 304 : i32
    %add3A_268 = vector.broadcast %add3A_267 : i32 to vector<16xi32>
    %add3A_269 = arith.addi %add3A_268, %iota3A : vector<16xi32>
    tpu.vector_store_idx %arg11[%broadcast_in_dim3A_88, %add3A_269], %gather3A_265 : memref<8x512xf32, #tpu.memory_space<vmem>>[vector<16xi32>, vector<16xi32>], vector<16xf32>,
    tpu.vector_store_idx %arg11[%add3A_91, %add3A_269], %gather3A_266 : memref<8x512xf32, #tpu.memory_space<vmem>>[vector<16xi32>, vector<16xi32>], vector<16xf32>,
    %get3A_270 = arith.constant 2 : i32
    %get3A_271 = arith.index_cast %get3A_270 : i32 to index
    %get3A_272 = arith.constant 64 : index
    %get3A_273 = tpu.vector_load %arg8[%get3A_271, %get3A_272] {strides = array<i32>} : memref<4x128xi32, #tpu.memory_space<vmem>>, vector<16xi32>,
    %gather3A_274 = tpu.vector_load_idx %arg12[%get3A_273] : memref<1000xf32, #tpu.memory_space<vmem>>[vector<16xi32>], vector<16xf32>,
    %gather3A_275 = tpu.vector_load_idx %arg13[%get3A_273] : memref<1000xf32, #tpu.memory_space<vmem>>[vector<16xi32>], vector<16xf32>,
    %add3A_276 = arith.constant 320 : i32
    %add3A_277 = vector.broadcast %add3A_276 : i32 to vector<16xi32>
    %add3A_278 = arith.addi %add3A_277, %iota3A : vector<16xi32>
    tpu.vector_store_idx %arg11[%broadcast_in_dim3A_88, %add3A_278], %gather3A_274 : memref<8x512xf32, #tpu.memory_space<vmem>>[vector<16xi32>, vector<16xi32>], vector<16xf32>,
    tpu.vector_store_idx %arg11[%add3A_91, %add3A_278], %gather3A_275 : memref<8x512xf32, #tpu.memory_space<vmem>>[vector<16xi32>, vector<16xi32>], vector<16xf32>,
    %get3A_279 = arith.constant 2 : i32
    %get3A_280 = arith.index_cast %get3A_279 : i32 to index
    %get3A_281 = arith.constant 80 : index
    %get3A_282 = tpu.vector_load %arg8[%get3A_280, %get3A_281] {strides = array<i32>} : memref<4x128xi32, #tpu.memory_space<vmem>>, vector<16xi32>,
    %gather3A_283 = tpu.vector_load_idx %arg12[%get3A_282] : memref<1000xf32, #tpu.memory_space<vmem>>[vector<16xi32>], vector<16xf32>,
    %gather3A_284 = tpu.vector_load_idx %arg13[%get3A_282] : memref<1000xf32, #tpu.memory_space<vmem>>[vector<16xi32>], vector<16xf32>,
    %add3A_285 = arith.constant 336 : i32
    %add3A_286 = vector.broadcast %add3A_285 : i32 to vector<16xi32>
    %add3A_287 = arith.addi %add3A_286, %iota3A : vector<16xi32>
    tpu.vector_store_idx %arg11[%broadcast_in_dim3A_88, %add3A_287], %gather3A_283 : memref<8x512xf32, #tpu.memory_space<vmem>>[vector<16xi32>, vector<16xi32>], vector<16xf32>,
    tpu.vector_store_idx %arg11[%add3A_91, %add3A_287], %gather3A_284 : memref<8x512xf32, #tpu.memory_space<vmem>>[vector<16xi32>, vector<16xi32>], vector<16xf32>,
    %get3A_288 = arith.constant 2 : i32
    %get3A_289 = arith.index_cast %get3A_288 : i32 to index
    %get3A_290 = arith.constant 96 : index
    %get3A_291 = tpu.vector_load %arg8[%get3A_289, %get3A_290] {strides = array<i32>} : memref<4x128xi32, #tpu.memory_space<vmem>>, vector<16xi32>,
    %gather3A_292 = tpu.vector_load_idx %arg12[%get3A_291] : memref<1000xf32, #tpu.memory_space<vmem>>[vector<16xi32>], vector<16xf32>,
    %gather3A_293 = tpu.vector_load_idx %arg13[%get3A_291] : memref<1000xf32, #tpu.memory_space<vmem>>[vector<16xi32>], vector<16xf32>,
    %add3A_294 = arith.constant 352 : i32
    %add3A_295 = vector.broadcast %add3A_294 : i32 to vector<16xi32>
    %add3A_296 = arith.addi %add3A_295, %iota3A : vector<16xi32>
    tpu.vector_store_idx %arg11[%broadcast_in_dim3A_88, %add3A_296], %gather3A_292 : memref<8x512xf32, #tpu.memory_space<vmem>>[vector<16xi32>, vector<16xi32>], vector<16xf32>,
    tpu.vector_store_idx %arg11[%add3A_91, %add3A_296], %gather3A_293 : memref<8x512xf32, #tpu.memory_space<vmem>>[vector<16xi32>, vector<16xi32>], vector<16xf32>,
    %get3A_297 = arith.constant 2 : i32
    %get3A_298 = arith.index_cast %get3A_297 : i32 to index
    %get3A_299 = arith.constant 112 : index
    %get3A_300 = tpu.vector_load %arg8[%get3A_298, %get3A_299] {strides = array<i32>} : memref<4x128xi32, #tpu.memory_space<vmem>>, vector<16xi32>,
    %gather3A_301 = tpu.vector_load_idx %arg12[%get3A_300] : memref<1000xf32, #tpu.memory_space<vmem>>[vector<16xi32>], vector<16xf32>,
    %gather3A_302 = tpu.vector_load_idx %arg13[%get3A_300] : memref<1000xf32, #tpu.memory_space<vmem>>[vector<16xi32>], vector<16xf32>,
    %add3A_303 = arith.constant 368 : i32
    %add3A_304 = vector.broadcast %add3A_303 : i32 to vector<16xi32>
    %add3A_305 = arith.addi %add3A_304, %iota3A : vector<16xi32>
    tpu.vector_store_idx %arg11[%broadcast_in_dim3A_88, %add3A_305], %gather3A_301 : memref<8x512xf32, #tpu.memory_space<vmem>>[vector<16xi32>, vector<16xi32>], vector<16xf32>,
    tpu.vector_store_idx %arg11[%add3A_91, %add3A_305], %gather3A_302 : memref<8x512xf32, #tpu.memory_space<vmem>>[vector<16xi32>, vector<16xi32>], vector<16xf32>,
    %get3A_306 = arith.constant 3 : i32
    %get3A_307 = arith.index_cast %get3A_306 : i32 to index
    %get3A_308 = arith.constant 0 : index
    %get3A_309 = tpu.vector_load %arg8[%get3A_307, %get3A_308] {strides = array<i32>} : memref<4x128xi32, #tpu.memory_space<vmem>>, vector<16xi32>,
    %gather3A_310 = tpu.vector_load_idx %arg12[%get3A_309] : memref<1000xf32, #tpu.memory_space<vmem>>[vector<16xi32>], vector<16xf32>,
    %gather3A_311 = tpu.vector_load_idx %arg13[%get3A_309] : memref<1000xf32, #tpu.memory_space<vmem>>[vector<16xi32>], vector<16xf32>,
    %add3A_312 = arith.constant 384 : i32
    %add3A_313 = vector.broadcast %add3A_312 : i32 to vector<16xi32>
    %add3A_314 = arith.addi %add3A_313, %iota3A : vector<16xi32>
    tpu.vector_store_idx %arg11[%broadcast_in_dim3A_88, %add3A_314], %gather3A_310 : memref<8x512xf32, #tpu.memory_space<vmem>>[vector<16xi32>, vector<16xi32>], vector<16xf32>,
    tpu.vector_store_idx %arg11[%add3A_91, %add3A_314], %gather3A_311 : memref<8x512xf32, #tpu.memory_space<vmem>>[vector<16xi32>, vector<16xi32>], vector<16xf32>,
    %get3A_315 = arith.constant 3 : i32
    %get3A_316 = arith.index_cast %get3A_315 : i32 to index
    %get3A_317 = arith.constant 16 : index
    %get3A_318 = tpu.vector_load %arg8[%get3A_316, %get3A_317] {strides = array<i32>} : memref<4x128xi32, #tpu.memory_space<vmem>>, vector<16xi32>,
    %gather3A_319 = tpu.vector_load_idx %arg12[%get3A_318] : memref<1000xf32, #tpu.memory_space<vmem>>[vector<16xi32>], vector<16xf32>,
    %gather3A_320 = tpu.vector_load_idx %arg13[%get3A_318] : memref<1000xf32, #tpu.memory_space<vmem>>[vector<16xi32>], vector<16xf32>,
    %add3A_321 = arith.constant 400 : i32
    %add3A_322 = vector.broadcast %add3A_321 : i32 to vector<16xi32>
    %add3A_323 = arith.addi %add3A_322, %iota3A : vector<16xi32>
    tpu.vector_store_idx %arg11[%broadcast_in_dim3A_88, %add3A_323], %gather3A_319 : memref<8x512xf32, #tpu.memory_space<vmem>>[vector<16xi32>, vector<16xi32>], vector<16xf32>,
    tpu.vector_store_idx %arg11[%add3A_91, %add3A_323], %gather3A_320 : memref<8x512xf32, #tpu.memory_space<vmem>>[vector<16xi32>, vector<16xi32>], vector<16xf32>,
    %get3A_324 = arith.constant 3 : i32
    %get3A_325 = arith.index_cast %get3A_324 : i32 to index
    %get3A_326 = arith.constant 32 : index
    %get3A_327 = tpu.vector_load %arg8[%get3A_325, %get3A_326] {strides = array<i32>} : memref<4x128xi32, #tpu.memory_space<vmem>>, vector<16xi32>,
    %gather3A_328 = tpu.vector_load_idx %arg12[%get3A_327] : memref<1000xf32, #tpu.memory_space<vmem>>[vector<16xi32>], vector<16xf32>,
    %gather3A_329 = tpu.vector_load_idx %arg13[%get3A_327] : memref<1000xf32, #tpu.memory_space<vmem>>[vector<16xi32>], vector<16xf32>,
    %add3A_330 = arith.constant 416 : i32
    %add3A_331 = vector.broadcast %add3A_330 : i32 to vector<16xi32>
    %add3A_332 = arith.addi %add3A_331, %iota3A : vector<16xi32>
    tpu.vector_store_idx %arg11[%broadcast_in_dim3A_88, %add3A_332], %gather3A_328 : memref<8x512xf32, #tpu.memory_space<vmem>>[vector<16xi32>, vector<16xi32>], vector<16xf32>,
    tpu.vector_store_idx %arg11[%add3A_91, %add3A_332], %gather3A_329 : memref<8x512xf32, #tpu.memory_space<vmem>>[vector<16xi32>, vector<16xi32>], vector<16xf32>,
    %get3A_333 = arith.constant 3 : i32
    %get3A_334 = arith.index_cast %get3A_333 : i32 to index
    %get3A_335 = arith.constant 48 : index
    %get3A_336 = tpu.vector_load %arg8[%get3A_334, %get3A_335] {strides = array<i32>} : memref<4x128xi32, #tpu.memory_space<vmem>>, vector<16xi32>,
    %gather3A_337 = tpu.vector_load_idx %arg12[%get3A_336] : memref<1000xf32, #tpu.memory_space<vmem>>[vector<16xi32>], vector<16xf32>,
    %gather3A_338 = tpu.vector_load_idx %arg13[%get3A_336] : memref<1000xf32, #tpu.memory_space<vmem>>[vector<16xi32>], vector<16xf32>,
    %add3A_339 = arith.constant 432 : i32
    %add3A_340 = vector.broadcast %add3A_339 : i32 to vector<16xi32>
    %add3A_341 = arith.addi %add3A_340, %iota3A : vector<16xi32>
    tpu.vector_store_idx %arg11[%broadcast_in_dim3A_88, %add3A_341], %gather3A_337 : memref<8x512xf32, #tpu.memory_space<vmem>>[vector<16xi32>, vector<16xi32>], vector<16xf32>,
    tpu.vector_store_idx %arg11[%add3A_91, %add3A_341], %gather3A_338 : memref<8x512xf32, #tpu.memory_space<vmem>>[vector<16xi32>, vector<16xi32>], vector<16xf32>,
    %get3A_342 = arith.constant 3 : i32
    %get3A_343 = arith.index_cast %get3A_342 : i32 to index
    %get3A_344 = arith.constant 64 : index
    %get3A_345 = tpu.vector_load %arg8[%get3A_343, %get3A_344] {strides = array<i32>} : memref<4x128xi32, #tpu.memory_space<vmem>>, vector<16xi32>,
    %gather3A_346 = tpu.vector_load_idx %arg12[%get3A_345] : memref<1000xf32, #tpu.memory_space<vmem>>[vector<16xi32>], vector<16xf32>,
    %gather3A_347 = tpu.vector_load_idx %arg13[%get3A_345] : memref<1000xf32, #tpu.memory_space<vmem>>[vector<16xi32>], vector<16xf32>,
    %add3A_348 = arith.constant 448 : i32
    %add3A_349 = vector.broadcast %add3A_348 : i32 to vector<16xi32>
    %add3A_350 = arith.addi %add3A_349, %iota3A : vector<16xi32>
    tpu.vector_store_idx %arg11[%broadcast_in_dim3A_88, %add3A_350], %gather3A_346 : memref<8x512xf32, #tpu.memory_space<vmem>>[vector<16xi32>, vector<16xi32>], vector<16xf32>,
    tpu.vector_store_idx %arg11[%add3A_91, %add3A_350], %gather3A_347 : memref<8x512xf32, #tpu.memory_space<vmem>>[vector<16xi32>, vector<16xi32>], vector<16xf32>,
    %get3A_351 = arith.constant 3 : i32
    %get3A_352 = arith.index_cast %get3A_351 : i32 to index
    %get3A_353 = arith.constant 80 : index
    %get3A_354 = tpu.vector_load %arg8[%get3A_352, %get3A_353] {strides = array<i32>} : memref<4x128xi32, #tpu.memory_space<vmem>>, vector<16xi32>,
    %gather3A_355 = tpu.vector_load_idx %arg12[%get3A_354] : memref<1000xf32, #tpu.memory_space<vmem>>[vector<16xi32>], vector<16xf32>,
    %gather3A_356 = tpu.vector_load_idx %arg13[%get3A_354] : memref<1000xf32, #tpu.memory_space<vmem>>[vector<16xi32>], vector<16xf32>,
    %add3A_357 = arith.constant 464 : i32
    %add3A_358 = vector.broadcast %add3A_357 : i32 to vector<16xi32>
    %add3A_359 = arith.addi %add3A_358, %iota3A : vector<16xi32>
    tpu.vector_store_idx %arg11[%broadcast_in_dim3A_88, %add3A_359], %gather3A_355 : memref<8x512xf32, #tpu.memory_space<vmem>>[vector<16xi32>, vector<16xi32>], vector<16xf32>,
    tpu.vector_store_idx %arg11[%add3A_91, %add3A_359], %gather3A_356 : memref<8x512xf32, #tpu.memory_space<vmem>>[vector<16xi32>, vector<16xi32>], vector<16xf32>,
    %get3A_360 = arith.constant 3 : i32
    %get3A_361 = arith.index_cast %get3A_360 : i32 to index
    %get3A_362 = arith.constant 96 : index
    %get3A_363 = tpu.vector_load %arg8[%get3A_361, %get3A_362] {strides = array<i32>} : memref<4x128xi32, #tpu.memory_space<vmem>>, vector<16xi32>,
    %gather3A_364 = tpu.vector_load_idx %arg12[%get3A_363] : memref<1000xf32, #tpu.memory_space<vmem>>[vector<16xi32>], vector<16xf32>,
    %gather3A_365 = tpu.vector_load_idx %arg13[%get3A_363] : memref<1000xf32, #tpu.memory_space<vmem>>[vector<16xi32>], vector<16xf32>,
    %add3A_366 = arith.constant 480 : i32
    %add3A_367 = vector.broadcast %add3A_366 : i32 to vector<16xi32>
    %add3A_368 = arith.addi %add3A_367, %iota3A : vector<16xi32>
    tpu.vector_store_idx %arg11[%broadcast_in_dim3A_88, %add3A_368], %gather3A_364 : memref<8x512xf32, #tpu.memory_space<vmem>>[vector<16xi32>, vector<16xi32>], vector<16xf32>,
    tpu.vector_store_idx %arg11[%add3A_91, %add3A_368], %gather3A_365 : memref<8x512xf32, #tpu.memory_space<vmem>>[vector<16xi32>, vector<16xi32>], vector<16xf32>,
    %get3A_369 = arith.constant 3 : i32
    %get3A_370 = arith.index_cast %get3A_369 : i32 to index
    %get3A_371 = arith.constant 112 : index
    %get3A_372 = tpu.vector_load %arg8[%get3A_370, %get3A_371] {strides = array<i32>} : memref<4x128xi32, #tpu.memory_space<vmem>>, vector<16xi32>,
    %gather3A_373 = tpu.vector_load_idx %arg12[%get3A_372] : memref<1000xf32, #tpu.memory_space<vmem>>[vector<16xi32>], vector<16xf32>,
    %gather3A_374 = tpu.vector_load_idx %arg13[%get3A_372] : memref<1000xf32, #tpu.memory_space<vmem>>[vector<16xi32>], vector<16xf32>,
    %add3A_375 = arith.constant 496 : i32
    %add3A_376 = vector.broadcast %add3A_375 : i32 to vector<16xi32>
    %add3A_377 = arith.addi %add3A_376, %iota3A : vector<16xi32>
    tpu.vector_store_idx %arg11[%broadcast_in_dim3A_88, %add3A_377], %gather3A_373 : memref<8x512xf32, #tpu.memory_space<vmem>>[vector<16xi32>, vector<16xi32>], vector<16xf32>,
    tpu.vector_store_idx %arg11[%add3A_91, %add3A_377], %gather3A_374 : memref<8x512xf32, #tpu.memory_space<vmem>>[vector<16xi32>, vector<16xi32>], vector<16xf32>,
    %dma_wait3A_378 = arith.constant 0 : i32
    %dma_wait3A_379 = arith.constant 0 : i32
    %dma_wait3A_380 = tpu.memref_slice %arg8[%dma_wait3A_378, %dma_wait3A_379] : memref<4x128xi32, #tpu.memory_space<vmem>> -> memref<1x128xi32, #tpu.memory_space<vmem>>
    %dma_wait3A_381 = tpu.memref_squeeze %dma_wait3A_380 : memref<1x128xi32, #tpu.memory_space<vmem>> -> memref<128xi32, #tpu.memory_space<vmem>>
    %dma_wait3A_382 = arith.constant 0 : i32
    %dma_wait3A_383 = arith.constant 0 : i32
    %dma_wait3A_384 = tpu.memref_slice %arg2[%dma_wait3A_382, %dma_wait3A_383] : memref<1000x128xf32, #tpu.memory_space<hbm>> -> memref<1000x128xf32, #tpu.memory_space<hbm>>
    tpu.wait_indirect_dma semaphore(%arg16 : memref<!tpu.dma_semaphore, #tpu.memory_space<semaphore_mem>>) src(%dma_wait3A_384 : memref<1000x128xf32, #tpu.memory_space<hbm>>) dst(%arg9 : memref<128x128xf32, #tpu.memory_space<vmem>>)
    %dma_start3A_385 = arith.constant 1 : i32
    %dma_start3A_386 = arith.constant 0 : i32
    %dma_start3A_387 = tpu.memref_slice %arg8[%dma_start3A_385, %dma_start3A_386] : memref<4x128xi32, #tpu.memory_space<vmem>> -> memref<1x128xi32, #tpu.memory_space<vmem>>
    %dma_start3A_388 = tpu.memref_squeeze %dma_start3A_387 : memref<1x128xi32, #tpu.memory_space<vmem>> -> memref<128xi32, #tpu.memory_space<vmem>>
    %dma_start3A_389 = arith.constant 0 : i32
    %dma_start3A_390 = arith.constant 0 : i32
    %dma_start3A_391 = tpu.memref_slice %arg2[%dma_start3A_389, %dma_start3A_390] : memref<1000x128xf32, #tpu.memory_space<hbm>> -> memref<1000x128xf32, #tpu.memory_space<hbm>>
    tpu.enqueue_indirect_dma source(%dma_start3A_391 : memref<1000x128xf32, #tpu.memory_space<hbm>>) target(%arg10 : memref<128x128xf32, #tpu.memory_space<vmem>>) offsets(%dma_start3A_388 : memref<128xi32, #tpu.memory_space<vmem>>) semaphore(%arg17 : memref<!tpu.dma_semaphore, #tpu.memory_space<semaphore_mem>>)
    %add3A_392 = arith.constant 0 : i32
    %add3A_393 = arith.addi %mul3A_2, %add3A_392 : i32
    "tpu.region"() ({
      %run_scoped3A = tpu.sem_alloc : memref<!tpu.dma_semaphore, #tpu.memory_space<semaphore_mem>>
      %dma_start3A_435 = arith.constant 0 : i32
      %dma_start3A_436 = tpu.memref_slice %arg6[%add3A_393, %dma_start3A_435] : memref<16384x128xf32, #tpu.memory_space<hbm>> -> memref<128x128xf32, #tpu.memory_space<hbm>>
      %dma_start3A_437 = arith.constant 0 : i32
      %dma_start3A_438 = tpu.memref_slice %arg6[%add3A_393, %dma_start3A_437] : memref<16384x128xf32, #tpu.memory_space<hbm>> -> memref<128x128xf32, #tpu.memory_space<hbm>>
      tpu.enqueue_dma source(%arg9 : memref<128x128xf32, #tpu.memory_space<vmem>>) target(%dma_start3A_438 : memref<128x128xf32, #tpu.memory_space<hbm>>) target_semaphore(%run_scoped3A : memref<!tpu.dma_semaphore, #tpu.memory_space<semaphore_mem>>)
      %dma_wait3A_439 = arith.constant 0 : i32
      %dma_wait3A_440 = tpu.memref_slice %arg6[%add3A_393, %dma_wait3A_439] : memref<16384x128xf32, #tpu.memory_space<hbm>> -> memref<128x128xf32, #tpu.memory_space<hbm>>
      %dma_wait3A_441 = arith.constant 0 : i32
      %dma_wait3A_442 = tpu.memref_slice %arg6[%add3A_393, %dma_wait3A_441] : memref<16384x128xf32, #tpu.memory_space<hbm>> -> memref<128x128xf32, #tpu.memory_space<hbm>>
      tpu.wait_dma2 semaphore(%run_scoped3A : memref<!tpu.dma_semaphore, #tpu.memory_space<semaphore_mem>>) src(%arg9 : memref<128x128xf32, #tpu.memory_space<vmem>>) dst(%dma_wait3A_442 : memref<128x128xf32, #tpu.memory_space<hbm>>)
      tpu.yield
    }) : () -> ()
    %dma_wait3A_394 = arith.constant 1 : i32
    %dma_wait3A_395 = arith.constant 0 : i32
    %dma_wait3A_396 = tpu.memref_slice %arg8[%dma_wait3A_394, %dma_wait3A_395] : memref<4x128xi32, #tpu.memory_space<vmem>> -> memref<1x128xi32, #tpu.memory_space<vmem>>
    %dma_wait3A_397 = tpu.memref_squeeze %dma_wait3A_396 : memref<1x128xi32, #tpu.memory_space<vmem>> -> memref<128xi32, #tpu.memory_space<vmem>>
    %dma_wait3A_398 = arith.constant 0 : i32
    %dma_wait3A_399 = arith.constant 0 : i32
    %dma_wait3A_400 = tpu.memref_slice %arg2[%dma_wait3A_398, %dma_wait3A_399] : memref<1000x128xf32, #tpu.memory_space<hbm>> -> memref<1000x128xf32, #tpu.memory_space<hbm>>
    tpu.wait_indirect_dma semaphore(%arg17 : memref<!tpu.dma_semaphore, #tpu.memory_space<semaphore_mem>>) src(%dma_wait3A_400 : memref<1000x128xf32, #tpu.memory_space<hbm>>) dst(%arg10 : memref<128x128xf32, #tpu.memory_space<vmem>>)
    %dma_start3A_401 = arith.constant 2 : i32
    %dma_start3A_402 = arith.constant 0 : i32
    %dma_start3A_403 = tpu.memref_slice %arg8[%dma_start3A_401, %dma_start3A_402] : memref<4x128xi32, #tpu.memory_space<vmem>> -> memref<1x128xi32, #tpu.memory_space<vmem>>
    %dma_start3A_404 = tpu.memref_squeeze %dma_start3A_403 : memref<1x128xi32, #tpu.memory_space<vmem>> -> memref<128xi32, #tpu.memory_space<vmem>>
    %dma_start3A_405 = arith.constant 0 : i32
    %dma_start3A_406 = arith.constant 0 : i32
    %dma_start3A_407 = tpu.memref_slice %arg2[%dma_start3A_405, %dma_start3A_406] : memref<1000x128xf32, #tpu.memory_space<hbm>> -> memref<1000x128xf32, #tpu.memory_space<hbm>>
    tpu.enqueue_indirect_dma source(%dma_start3A_407 : memref<1000x128xf32, #tpu.memory_space<hbm>>) target(%arg9 : memref<128x128xf32, #tpu.memory_space<vmem>>) offsets(%dma_start3A_404 : memref<128xi32, #tpu.memory_space<vmem>>) semaphore(%arg16 : memref<!tpu.dma_semaphore, #tpu.memory_space<semaphore_mem>>)
    %add3A_408 = arith.constant 128 : i32
    %add3A_409 = arith.addi %mul3A_2, %add3A_408 : i32
    "tpu.region"() ({
      %run_scoped3A = tpu.sem_alloc : memref<!tpu.dma_semaphore, #tpu.memory_space<semaphore_mem>>
      %dma_start3A_435 = arith.constant 0 : i32
      %dma_start3A_436 = tpu.memref_slice %arg6[%add3A_409, %dma_start3A_435] : memref<16384x128xf32, #tpu.memory_space<hbm>> -> memref<128x128xf32, #tpu.memory_space<hbm>>
      %dma_start3A_437 = arith.constant 0 : i32
      %dma_start3A_438 = tpu.memref_slice %arg6[%add3A_409, %dma_start3A_437] : memref<16384x128xf32, #tpu.memory_space<hbm>> -> memref<128x128xf32, #tpu.memory_space<hbm>>
      tpu.enqueue_dma source(%arg10 : memref<128x128xf32, #tpu.memory_space<vmem>>) target(%dma_start3A_438 : memref<128x128xf32, #tpu.memory_space<hbm>>) target_semaphore(%run_scoped3A : memref<!tpu.dma_semaphore, #tpu.memory_space<semaphore_mem>>)
      %dma_wait3A_439 = arith.constant 0 : i32
      %dma_wait3A_440 = tpu.memref_slice %arg6[%add3A_409, %dma_wait3A_439] : memref<16384x128xf32, #tpu.memory_space<hbm>> -> memref<128x128xf32, #tpu.memory_space<hbm>>
      %dma_wait3A_441 = arith.constant 0 : i32
      %dma_wait3A_442 = tpu.memref_slice %arg6[%add3A_409, %dma_wait3A_441] : memref<16384x128xf32, #tpu.memory_space<hbm>> -> memref<128x128xf32, #tpu.memory_space<hbm>>
      tpu.wait_dma2 semaphore(%run_scoped3A : memref<!tpu.dma_semaphore, #tpu.memory_space<semaphore_mem>>) src(%arg10 : memref<128x128xf32, #tpu.memory_space<vmem>>) dst(%dma_wait3A_442 : memref<128x128xf32, #tpu.memory_space<hbm>>)
      tpu.yield
    }) : () -> ()
    %dma_wait3A_410 = arith.constant 2 : i32
    %dma_wait3A_411 = arith.constant 0 : i32
    %dma_wait3A_412 = tpu.memref_slice %arg8[%dma_wait3A_410, %dma_wait3A_411] : memref<4x128xi32, #tpu.memory_space<vmem>> -> memref<1x128xi32, #tpu.memory_space<vmem>>
    %dma_wait3A_413 = tpu.memref_squeeze %dma_wait3A_412 : memref<1x128xi32, #tpu.memory_space<vmem>> -> memref<128xi32, #tpu.memory_space<vmem>>
    %dma_wait3A_414 = arith.constant 0 : i32
    %dma_wait3A_415 = arith.constant 0 : i32
    %dma_wait3A_416 = tpu.memref_slice %arg2[%dma_wait3A_414, %dma_wait3A_415] : memref<1000x128xf32, #tpu.memory_space<hbm>> -> memref<1000x128xf32, #tpu.memory_space<hbm>>
    tpu.wait_indirect_dma semaphore(%arg16 : memref<!tpu.dma_semaphore, #tpu.memory_space<semaphore_mem>>) src(%dma_wait3A_416 : memref<1000x128xf32, #tpu.memory_space<hbm>>) dst(%arg9 : memref<128x128xf32, #tpu.memory_space<vmem>>)
    %dma_start3A_417 = arith.constant 3 : i32
    %dma_start3A_418 = arith.constant 0 : i32
    %dma_start3A_419 = tpu.memref_slice %arg8[%dma_start3A_417, %dma_start3A_418] : memref<4x128xi32, #tpu.memory_space<vmem>> -> memref<1x128xi32, #tpu.memory_space<vmem>>
    %dma_start3A_420 = tpu.memref_squeeze %dma_start3A_419 : memref<1x128xi32, #tpu.memory_space<vmem>> -> memref<128xi32, #tpu.memory_space<vmem>>
    %dma_start3A_421 = arith.constant 0 : i32
    %dma_start3A_422 = arith.constant 0 : i32
    %dma_start3A_423 = tpu.memref_slice %arg2[%dma_start3A_421, %dma_start3A_422] : memref<1000x128xf32, #tpu.memory_space<hbm>> -> memref<1000x128xf32, #tpu.memory_space<hbm>>
    tpu.enqueue_indirect_dma source(%dma_start3A_423 : memref<1000x128xf32, #tpu.memory_space<hbm>>) target(%arg10 : memref<128x128xf32, #tpu.memory_space<vmem>>) offsets(%dma_start3A_420 : memref<128xi32, #tpu.memory_space<vmem>>) semaphore(%arg17 : memref<!tpu.dma_semaphore, #tpu.memory_space<semaphore_mem>>)
    %add3A_424 = arith.constant 256 : i32
    %add3A_425 = arith.addi %mul3A_2, %add3A_424 : i32
    "tpu.region"() ({
      %run_scoped3A = tpu.sem_alloc : memref<!tpu.dma_semaphore, #tpu.memory_space<semaphore_mem>>
      %dma_start3A_435 = arith.constant 0 : i32
      %dma_start3A_436 = tpu.memref_slice %arg6[%add3A_425, %dma_start3A_435] : memref<16384x128xf32, #tpu.memory_space<hbm>> -> memref<128x128xf32, #tpu.memory_space<hbm>>
      %dma_start3A_437 = arith.constant 0 : i32
      %dma_start3A_438 = tpu.memref_slice %arg6[%add3A_425, %dma_start3A_437] : memref<16384x128xf32, #tpu.memory_space<hbm>> -> memref<128x128xf32, #tpu.memory_space<hbm>>
      tpu.enqueue_dma source(%arg9 : memref<128x128xf32, #tpu.memory_space<vmem>>) target(%dma_start3A_438 : memref<128x128xf32, #tpu.memory_space<hbm>>) target_semaphore(%run_scoped3A : memref<!tpu.dma_semaphore, #tpu.memory_space<semaphore_mem>>)
      %dma_wait3A_439 = arith.constant 0 : i32
      %dma_wait3A_440 = tpu.memref_slice %arg6[%add3A_425, %dma_wait3A_439] : memref<16384x128xf32, #tpu.memory_space<hbm>> -> memref<128x128xf32, #tpu.memory_space<hbm>>
      %dma_wait3A_441 = arith.constant 0 : i32
      %dma_wait3A_442 = tpu.memref_slice %arg6[%add3A_425, %dma_wait3A_441] : memref<16384x128xf32, #tpu.memory_space<hbm>> -> memref<128x128xf32, #tpu.memory_space<hbm>>
      tpu.wait_dma2 semaphore(%run_scoped3A : memref<!tpu.dma_semaphore, #tpu.memory_space<semaphore_mem>>) src(%arg9 : memref<128x128xf32, #tpu.memory_space<vmem>>) dst(%dma_wait3A_442 : memref<128x128xf32, #tpu.memory_space<hbm>>)
      tpu.yield
    }) : () -> ()
    %dma_wait3A_426 = arith.constant 3 : i32
    %dma_wait3A_427 = arith.constant 0 : i32
    %dma_wait3A_428 = tpu.memref_slice %arg8[%dma_wait3A_426, %dma_wait3A_427] : memref<4x128xi32, #tpu.memory_space<vmem>> -> memref<1x128xi32, #tpu.memory_space<vmem>>
    %dma_wait3A_429 = tpu.memref_squeeze %dma_wait3A_428 : memref<1x128xi32, #tpu.memory_space<vmem>> -> memref<128xi32, #tpu.memory_space<vmem>>
    %dma_wait3A_430 = arith.constant 0 : i32
    %dma_wait3A_431 = arith.constant 0 : i32
    %dma_wait3A_432 = tpu.memref_slice %arg2[%dma_wait3A_430, %dma_wait3A_431] : memref<1000x128xf32, #tpu.memory_space<hbm>> -> memref<1000x128xf32, #tpu.memory_space<hbm>>
    tpu.wait_indirect_dma semaphore(%arg17 : memref<!tpu.dma_semaphore, #tpu.memory_space<semaphore_mem>>) src(%dma_wait3A_432 : memref<1000x128xf32, #tpu.memory_space<hbm>>) dst(%arg10 : memref<128x128xf32, #tpu.memory_space<vmem>>)
    %add3A_433 = arith.constant 384 : i32
    %add3A_434 = arith.addi %mul3A_2, %add3A_433 : i32
    "tpu.region"() ({
      %run_scoped3A = tpu.sem_alloc : memref<!tpu.dma_semaphore, #tpu.memory_space<semaphore_mem>>
      %dma_start3A_435 = arith.constant 0 : i32
      %dma_start3A_436 = tpu.memref_slice %arg6[%add3A_434, %dma_start3A_435] : memref<16384x128xf32, #tpu.memory_space<hbm>> -> memref<128x128xf32, #tpu.memory_space<hbm>>
      %dma_start3A_437 = arith.constant 0 : i32
      %dma_start3A_438 = tpu.memref_slice %arg6[%add3A_434, %dma_start3A_437] : memref<16384x128xf32, #tpu.memory_space<hbm>> -> memref<128x128xf32, #tpu.memory_space<hbm>>
      tpu.enqueue_dma source(%arg10 : memref<128x128xf32, #tpu.memory_space<vmem>>) target(%dma_start3A_438 : memref<128x128xf32, #tpu.memory_space<hbm>>) target_semaphore(%run_scoped3A : memref<!tpu.dma_semaphore, #tpu.memory_space<semaphore_mem>>)
      %dma_wait3A_439 = arith.constant 0 : i32
      %dma_wait3A_440 = tpu.memref_slice %arg6[%add3A_434, %dma_wait3A_439] : memref<16384x128xf32, #tpu.memory_space<hbm>> -> memref<128x128xf32, #tpu.memory_space<hbm>>
      %dma_wait3A_441 = arith.constant 0 : i32
      %dma_wait3A_442 = tpu.memref_slice %arg6[%add3A_434, %dma_wait3A_441] : memref<16384x128xf32, #tpu.memory_space<hbm>> -> memref<128x128xf32, #tpu.memory_space<hbm>>
      tpu.wait_dma2 semaphore(%run_scoped3A : memref<!tpu.dma_semaphore, #tpu.memory_space<semaphore_mem>>) src(%arg10 : memref<128x128xf32, #tpu.memory_space<vmem>>) dst(%dma_wait3A_442 : memref<128x128xf32, #tpu.memory_space<hbm>>)
      tpu.yield
    }) : () -> ()
    "tpu.region"() ({
      %run_scoped3A = tpu.sem_alloc : memref<!tpu.dma_semaphore, #tpu.memory_space<semaphore_mem>>
      %dma_start3A_435 = arith.constant 0 : i32
      %dma_start3A_436 = tpu.memref_slice %arg7[%dma_start3A_435, %mul3A_2] : memref<8x16384xf32, #tpu.memory_space<hbm>> -> memref<8x512xf32, #tpu.memory_space<hbm>>
      %dma_start3A_437 = arith.constant 0 : i32
      %dma_start3A_438 = tpu.memref_slice %arg7[%dma_start3A_437, %mul3A_2] : memref<8x16384xf32, #tpu.memory_space<hbm>> -> memref<8x512xf32, #tpu.memory_space<hbm>>
      tpu.enqueue_dma source(%arg11 : memref<8x512xf32, #tpu.memory_space<vmem>>) target(%dma_start3A_438 : memref<8x512xf32, #tpu.memory_space<hbm>>) target_semaphore(%run_scoped3A : memref<!tpu.dma_semaphore, #tpu.memory_space<semaphore_mem>>)
      %dma_wait3A_439 = arith.constant 0 : i32
      %dma_wait3A_440 = tpu.memref_slice %arg7[%dma_wait3A_439, %mul3A_2] : memref<8x16384xf32, #tpu.memory_space<hbm>> -> memref<8x512xf32, #tpu.memory_space<hbm>>
      %dma_wait3A_441 = arith.constant 0 : i32
      %dma_wait3A_442 = tpu.memref_slice %arg7[%dma_wait3A_441, %mul3A_2] : memref<8x16384xf32, #tpu.memory_space<hbm>> -> memref<8x512xf32, #tpu.memory_space<hbm>>
      tpu.wait_dma2 semaphore(%run_scoped3A : memref<!tpu.dma_semaphore, #tpu.memory_space<semaphore_mem>>) src(%arg11 : memref<8x512xf32, #tpu.memory_space<vmem>>) dst(%dma_wait3A_442 : memref<8x512xf32, #tpu.memory_space<hbm>>)
      tpu.yield
    }) : () -> ()
    return
  }
}

module attributes {stable_mosaic.version = 14 : i64} {
  func.func @_noise_body(%arg0: i32, %arg1: memref<4096x128xf32, #tpu.memory_space<vmem>>, %arg2: memref<1000x128xf32, #tpu.memory_space<vmem>>, %arg3: memref<64x8xi32, #tpu.memory_space<vmem>>, %arg4: memref<1000x8xf32, #tpu.memory_space<vmem>>, %arg5: memref<1x1xf32, #tpu.memory_space<vmem>>, %arg6: memref<64x128xf32, #tpu.memory_space<vmem>>, %arg7: memref<2x64xf32, #tpu.memory_space<vmem>>) attributes {dimension_semantics = [#tpu.dimension_semantics<arbitrary>], iteration_bounds = array<i64: 4>, scalar_prefetch = 0 : i64, scratch_operands = 2 : i64, tpu.core_type = #tpu.core_type<tc>, window_params = [{transform_indices = @transform_0, window_bounds = array<i64: 4096, 128>}, {pipeline_mode = #tpu.pipeline_mode<synchronous>, transform_indices = @transform_1, window_bounds = array<i64: 1000, 128>}, {pipeline_mode = #tpu.pipeline_mode<synchronous>, transform_indices = @transform_2, window_bounds = array<i64: 64, 8>}, {pipeline_mode = #tpu.pipeline_mode<synchronous>, transform_indices = @transform_3, window_bounds = array<i64: 1000, 8>}, {pipeline_mode = #tpu.pipeline_mode<synchronous>, transform_indices = @transform_4, window_bounds = array<i64: 1, 1>}]} {
    %eq3A = arith.constant 0 : i32
    %eq3A_0 = arith.cmpi eq, %arg0, %eq3A : i32
    %convert_element_type3A = arith.extui %eq3A_0 : i1 to i32
    %cond3A = arith.constant 0 : i32
    %cond3A_1 = arith.cmpi ne, %convert_element_type3A, %cond3A : i32
    scf.if %cond3A_1 {
      %get3A_44 = arith.constant 0 : index
      %get3A_45 = arith.constant 0 : index
      %get3A_46 = vector.load %arg3[%get3A_44, %get3A_45] : memref<64x8xi32, #tpu.memory_space<vmem>>, vector<64x1xi32>
      %iota3A_47 = tpu.iota {dimensions = array<i32: 1>} : vector<64x1000xi32>
      %eq3A_48 = vector.broadcast %get3A_46 : vector<64x1xi32> to vector<64x1000xi32>
      %eq3A_49 = arith.cmpi eq, %iota3A_47, %eq3A_48 : vector<64x1000xi32>
      %convert_element_type3A_50 = arith.extui %eq3A_49 : vector<64x1000xi1> to vector<64x1000xi32>
      %convert_element_type3A_51 = arith.sitofp %convert_element_type3A_50 : vector<64x1000xi32> to vector<64x1000xf32>
      %get3A_52 = arith.constant 0 : index
      %get3A_53 = arith.constant 0 : index
      %get3A_54 = vector.load %arg2[%get3A_52, %get3A_53] : memref<1000x128xf32, #tpu.memory_space<vmem>>, vector<1000x128xf32>
      %dot_general3A_55 = arith.constant dense<0.000000e+00> : vector<64x128xf32>
      %dot_general3A_56 = tpu.matmul %convert_element_type3A_51, %get3A_54, %dot_general3A_55 {dimension_numbers = #tpu.dot_dimension_numbers<[1], [0], [0], [1], [0, 0, 1, 1], [], []>, precision = #tpu.contract_precision<fp32>, transpose_lhs_hint = false} : vector<64x1000xf32>, vector<1000x128xf32>, vector<64x128xf32> -> vector<64x128xf32>
      %swap3A_57 = arith.constant 0 : index
      %swap3A_58 = arith.constant 0 : index
      %swap3A_59 = vector.load %arg6[%swap3A_57, %swap3A_58] : memref<64x128xf32, #tpu.memory_space<vmem>>, vector<64x128xf32>
      tpu.vector_store %arg6[%swap3A_57, %swap3A_58], %dot_general3A_56 {strides = array<i32>} : memref<64x128xf32, #tpu.memory_space<vmem>>, vector<64x128xf32>,
      %get3A_60 = arith.constant 0 : index
      %get3A_61 = arith.constant 0 : index
      %get3A_62 = vector.load %arg4[%get3A_60, %get3A_61] : memref<1000x8xf32, #tpu.memory_space<vmem>>, vector<1000x8xf32>
      %dot_general3A_63 = arith.constant dense<0.000000e+00> : vector<64x8xf32>
      %dot_general3A_64 = tpu.matmul %convert_element_type3A_51, %get3A_62, %dot_general3A_63 {dimension_numbers = #tpu.dot_dimension_numbers<[1], [0], [0], [1], [0, 0, 1, 1], [], []>, precision = #tpu.contract_precision<fp32>, transpose_lhs_hint = false} : vector<64x1000xf32>, vector<1000x8xf32>, vector<64x8xf32> -> vector<64x8xf32>
      %iota3A_65 = tpu.iota {dimensions = array<i32: 1>} : vector<2x8xi32>
      %iota3A_66 = tpu.iota {dimensions = array<i32: 0>} : vector<2x8xi32>
      %eq3A_67 = arith.cmpi eq, %iota3A_65, %iota3A_66 : vector<2x8xi32>
      %convert_element_type3A_68 = arith.extui %eq3A_67 : vector<2x8xi1> to vector<2x8xi32>
      %convert_element_type3A_69 = arith.sitofp %convert_element_type3A_68 : vector<2x8xi32> to vector<2x8xf32>
      %dot_general3A_70 = arith.constant dense<0.000000e+00> : vector<2x64xf32>
      %dot_general3A_71 = tpu.matmul %convert_element_type3A_69, %dot_general3A_64, %dot_general3A_70 {dimension_numbers = #tpu.dot_dimension_numbers<[1], [1], [0], [0], [0, 0, 1, 0], [], []>, precision = #tpu.contract_precision<fp32>, transpose_lhs_hint = false} : vector<2x8xf32>, vector<64x8xf32>, vector<2x64xf32> -> vector<2x64xf32>
      %swap3A_72 = arith.constant 0 : index
      %swap3A_73 = arith.constant 0 : index
      %swap3A_74 = vector.load %arg7[%swap3A_72, %swap3A_73] : memref<2x64xf32, #tpu.memory_space<vmem>>, vector<2x64xf32>
      tpu.vector_store %arg7[%swap3A_72, %swap3A_73], %dot_general3A_71 {strides = array<i32>} : memref<2x64xf32, #tpu.memory_space<vmem>>, vector<2x64xf32>,
    } else {
    }
    %get3A = arith.constant 0 : index
    %get3A_2 = arith.constant 0 : index
    %get3A_3 = vector.load %arg1[%get3A, %get3A_2] : memref<4096x128xf32, #tpu.memory_space<vmem>>, vector<4096x128xf32>
    %get3A_4 = arith.constant 0 : index
    %get3A_5 = arith.constant 0 : index
    %get3A_6 = vector.load %arg7[%get3A_4, %get3A_5] : memref<2x64xf32, #tpu.memory_space<vmem>>, vector<1x64xf32>
    %get3A_7 = arith.constant 1 : index
    %get3A_8 = arith.constant 0 : index
    %get3A_9 = vector.load %arg7[%get3A_7, %get3A_8] : memref<2x64xf32, #tpu.memory_space<vmem>>, vector<1x64xf32>
    %get3A_10 = arith.constant 0 : index
    %get3A_11 = arith.constant 0 : index
    %get3A_12 = vector.load %arg6[%get3A_10, %get3A_11] : memref<64x128xf32, #tpu.memory_space<vmem>>, vector<64x128xf32>
    %dot_general3A = arith.constant dense<0.000000e+00> : vector<4096x64xf32>
    %dot_general3A_13 = tpu.matmul %get3A_3, %get3A_12, %dot_general3A {dimension_numbers = #tpu.dot_dimension_numbers<[1], [1], [0], [0], [0, 0, 1, 0], [], []>, transpose_lhs_hint = false} : vector<4096x128xf32>, vector<64x128xf32>, vector<4096x64xf32> -> vector<4096x64xf32>
    %add3A = vector.broadcast %get3A_6 : vector<1x64xf32> to vector<4096x64xf32>
    %add3A_14 = arith.addf %dot_general3A_13, %add3A : vector<4096x64xf32>
    %sub3A = arith.constant 9.000000e+00 : f32
    %sub3A_15 = vector.broadcast %sub3A : f32 to vector<4096x64xf32>
    %sub3A_16 = arith.subf %add3A_14, %sub3A_15 : vector<4096x64xf32>
    %exp3A = math.exp %sub3A_16 : vector<4096x64xf32>
    %mul3A = arith.constant 5.000000e+01 : f32
    %mul3A_17 = vector.broadcast %mul3A : f32 to vector<1x64xf32>
    %mul3A_18 = arith.mulf %mul3A_17, %get3A_9 : vector<1x64xf32>
    %iota3A = tpu.iota {dimensions = array<i32: 1>} : vector<1x64xi32>
    %lt3A = arith.constant 50 : i32
    %lt3A_19 = vector.broadcast %lt3A : i32 to vector<1x64xi32>
    %lt3A_20 = arith.cmpi slt, %iota3A, %lt3A_19 : vector<1x64xi32>
    %log3A = math.log %mul3A_18 : vector<1x64xf32>
    %add3A_21 = vector.broadcast %mul3A_18 : vector<1x64xf32> to vector<4096x64xf32>
    %add3A_22 = arith.addf %exp3A, %add3A_21 : vector<4096x64xf32>
    %log3A_23 = math.log %add3A_22 : vector<4096x64xf32>
    %sub3A_24 = vector.broadcast %log3A : vector<1x64xf32> to vector<4096x64xf32>
    %sub3A_25 = arith.subf %sub3A_24, %log3A_23 : vector<4096x64xf32>
    %jit3A = arith.constant 0.000000e+00 : f32
    %broadcast_in_dim3A = vector.shape_cast %lt3A_20 : vector<1x64xi1> to vector<1x64xi1>
    %broadcast_in_dim3A_26 = vector.broadcast %broadcast_in_dim3A : vector<1x64xi1> to vector<4096x64xi1>
    %broadcast_in_dim3A_27 = vector.broadcast %jit3A : f32 to vector<4096x64xf32>
    %select_n3A = arith.select %broadcast_in_dim3A_26, %sub3A_25, %broadcast_in_dim3A_27 : vector<4096x64xi1>, vector<4096x64xf32>
    %reduce_sum3A = arith.constant dense<0.000000e+00> : vector<4096xf32>
    %reduce_sum3A_28 = vector.multi_reduction <add>, %select_n3A, %reduce_sum3A [1] : vector<4096x64xf32> to vector<4096xf32>
    %broadcast_in_dim3A_29 = vector.shape_cast %reduce_sum3A_28 : vector<4096xf32> to vector<4096x1xf32>
    %reduce_sum3A_30 = arith.constant dense<0.000000e+00> : vector<1xf32>
    %reduce_sum3A_31 = vector.multi_reduction <add>, %broadcast_in_dim3A_29, %reduce_sum3A_30 [0] : vector<4096x1xf32> to vector<1xf32>
    %broadcast_in_dim3A_32 = vector.shape_cast %reduce_sum3A_31 : vector<1xf32> to vector<1x1xf32>
    %eq3A_33 = arith.constant 0 : i32
    %eq3A_34 = arith.cmpi eq, %arg0, %eq3A_33 : i32
    %get3A_35 = arith.constant 0 : index
    %get3A_36 = arith.constant 0 : index
    %get3A_37 = vector.load %arg5[%get3A_35, %get3A_36] : memref<1x1xf32, #tpu.memory_space<vmem>>, vector<1x1xf32>
    %jit3A_38 = arith.constant 0.000000e+00 : f32
    %broadcast_in_dim3A_39 = vector.broadcast %jit3A_38 : f32 to vector<1x1xf32>
    %select_n3A_40 = arith.select %eq3A_34, %broadcast_in_dim3A_39, %get3A_37 : vector<1x1xf32>
    %add3A_41 = arith.addf %select_n3A_40, %broadcast_in_dim3A_32 : vector<1x1xf32>
    %swap3A = arith.constant 0 : index
    %swap3A_42 = arith.constant 0 : index
    %swap3A_43 = vector.load %arg5[%swap3A, %swap3A_42] : memref<1x1xf32, #tpu.memory_space<vmem>>, vector<1x1xf32>
    tpu.vector_store %arg5[%swap3A, %swap3A_42], %add3A_41 {strides = array<i32>} : memref<1x1xf32, #tpu.memory_space<vmem>>, vector<1x1xf32>,
    return
  }
  func.func @transform_0(%arg0: i32) -> (i32, i32) {
    %c0_i32 = arith.constant 0 : i32
    %c0_i32_0 = arith.constant 0 : i32
    return %arg0, %c0_i32 : i32, i32
  }
  func.func @transform_1(%arg0: i32) -> (i32, i32) {
    %c0_i32 = arith.constant 0 : i32
    %c0_i32_0 = arith.constant 0 : i32
    %c0_i32_1 = arith.constant 0 : i32
    return %c0_i32, %c0_i32_0 : i32, i32
  }
  func.func @transform_2(%arg0: i32) -> (i32, i32) {
    %c0_i32 = arith.constant 0 : i32
    %c0_i32_0 = arith.constant 0 : i32
    %c0_i32_1 = arith.constant 0 : i32
    return %c0_i32, %c0_i32_0 : i32, i32
  }
  func.func @transform_3(%arg0: i32) -> (i32, i32) {
    %c0_i32 = arith.constant 0 : i32
    %c0_i32_0 = arith.constant 0 : i32
    %c0_i32_1 = arith.constant 0 : i32
    return %c0_i32, %c0_i32_0 : i32, i32
  }
  func.func @transform_4(%arg0: i32) -> (i32, i32) {
    %c0_i32 = arith.constant 0 : i32
    %c0_i32_0 = arith.constant 0 : i32
    %c0_i32_1 = arith.constant 0 : i32
    return %c0_i32, %c0_i32_0 : i32, i32
  }
}

module attributes {stable_mosaic.version = 14 : i64} {
  func.func @_data_body(%arg0: i32, %arg1: memref<4096x128xf32, #tpu.memory_space<vmem>>, %arg2: memref<4096x128xf32, #tpu.memory_space<vmem>>, %arg3: memref<8x4096xf32, #tpu.memory_space<vmem>>, %arg4: memref<1x1xf32, #tpu.memory_space<vmem>>, %arg5: memref<1x1xf32, #tpu.memory_space<vmem>>) attributes {dimension_semantics = [#tpu.dimension_semantics<arbitrary>], iteration_bounds = array<i64: 4>, scalar_prefetch = 0 : i64, scratch_operands = 0 : i64, tpu.core_type = #tpu.core_type<tc>, window_params = [{transform_indices = @transform_0, window_bounds = array<i64: 4096, 128>}, {transform_indices = @transform_1, window_bounds = array<i64: 4096, 128>}, {transform_indices = @transform_2, window_bounds = array<i64: 8, 4096>}, {pipeline_mode = #tpu.pipeline_mode<synchronous>, transform_indices = @transform_3, window_bounds = array<i64: 1, 1>}, {pipeline_mode = #tpu.pipeline_mode<synchronous>, transform_indices = @transform_4, window_bounds = array<i64: 1, 1>}]} {
    %get3A = arith.constant 0 : index
    %get3A_0 = arith.constant 0 : index
    %get3A_1 = vector.load %arg1[%get3A, %get3A_0] : memref<4096x128xf32, #tpu.memory_space<vmem>>, vector<4096x128xf32>
    %get3A_2 = arith.constant 0 : index
    %get3A_3 = arith.constant 0 : index
    %get3A_4 = vector.load %arg2[%get3A_2, %get3A_3] : memref<4096x128xf32, #tpu.memory_space<vmem>>, vector<4096x128xf32>
    %mul3A = arith.mulf %get3A_1, %get3A_4 : vector<4096x128xf32>
    %broadcast_in_dim3A = arith.constant 1.000000e+00 : f32
    %broadcast_in_dim3A_5 = vector.broadcast %broadcast_in_dim3A : f32 to vector<1x128xf32>
    %get3A_6 = arith.constant 0 : index
    %get3A_7 = arith.constant 0 : index
    %get3A_8 = vector.load %arg3[%get3A_6, %get3A_7] : memref<8x4096xf32, #tpu.memory_space<vmem>>, vector<1x4096xf32>
    %get3A_9 = arith.constant 1 : index
    %get3A_10 = arith.constant 0 : index
    %get3A_11 = vector.load %arg3[%get3A_9, %get3A_10] : memref<8x4096xf32, #tpu.memory_space<vmem>>, vector<1x4096xf32>
    %dot_general3A = arith.constant dense<0.000000e+00> : vector<1x4096xf32>
    %dot_general3A_12 = tpu.matmul %broadcast_in_dim3A_5, %mul3A, %dot_general3A {dimension_numbers = #tpu.dot_dimension_numbers<[1], [1], [0], [0], [0, 0, 1, 0], [], []>, precision = #tpu.contract_precision<fp32>, transpose_lhs_hint = false} : vector<1x128xf32>, vector<4096x128xf32>, vector<1x4096xf32> -> vector<1x4096xf32>
    %add3A = arith.addf %dot_general3A_12, %get3A_8 : vector<1x4096xf32>
    %sub3A = arith.constant 9.000000e+00 : f32
    %sub3A_13 = vector.broadcast %sub3A : f32 to vector<1x4096xf32>
    %sub3A_14 = arith.subf %add3A, %sub3A_13 : vector<1x4096xf32>
    %exp3A = math.exp %sub3A_14 : vector<1x4096xf32>
    %mul3A_15 = arith.constant 5.000000e+01 : f32
    %mul3A_16 = vector.broadcast %mul3A_15 : f32 to vector<1x4096xf32>
    %mul3A_17 = arith.mulf %mul3A_16, %get3A_11 : vector<1x4096xf32>
    %add3A_18 = arith.addf %exp3A, %mul3A_17 : vector<1x4096xf32>
    %log3A = math.log %add3A_18 : vector<1x4096xf32>
    %sub3A_19 = arith.subf %sub3A_14, %log3A : vector<1x4096xf32>
    %reduce_sum3A = arith.constant dense<0.000000e+00> : vector<1xf32>
    %reduce_sum3A_20 = vector.multi_reduction <add>, %sub3A_19, %reduce_sum3A [1] : vector<1x4096xf32> to vector<1xf32>
    %broadcast_in_dim3A_21 = vector.shape_cast %reduce_sum3A_20 : vector<1xf32> to vector<1x1xf32>
    %eq3A = arith.constant 0 : i32
    %eq3A_22 = arith.cmpi eq, %arg0, %eq3A : i32
    %get3A_23 = arith.constant 0 : index
    %get3A_24 = arith.constant 0 : index
    %get3A_25 = vector.load %arg5[%get3A_23, %get3A_24] : memref<1x1xf32, #tpu.memory_space<vmem>>, vector<1x1xf32>
    %jit3A = arith.constant 0.000000e+00 : f32
    %broadcast_in_dim3A_26 = vector.broadcast %jit3A : f32 to vector<1x1xf32>
    %select_n3A = arith.select %eq3A_22, %broadcast_in_dim3A_26, %get3A_25 : vector<1x1xf32>
    %add3A_27 = arith.addf %select_n3A, %broadcast_in_dim3A_21 : vector<1x1xf32>
    %swap3A = arith.constant 0 : index
    %swap3A_28 = arith.constant 0 : index
    %swap3A_29 = vector.load %arg5[%swap3A, %swap3A_28] : memref<1x1xf32, #tpu.memory_space<vmem>>, vector<1x1xf32>
    tpu.vector_store %arg5[%swap3A, %swap3A_28], %add3A_27 {strides = array<i32>} : memref<1x1xf32, #tpu.memory_space<vmem>>, vector<1x1xf32>,
    %eq3A_30 = arith.constant 3 : i32
    %eq3A_31 = arith.cmpi eq, %arg0, %eq3A_30 : i32
    %convert_element_type3A = arith.extui %eq3A_31 : i1 to i32
    %cond3A = arith.constant 0 : i32
    %cond3A_32 = arith.cmpi ne, %convert_element_type3A, %cond3A : i32
    scf.if %cond3A_32 {
      %get3A_33 = arith.constant 0 : index
      %get3A_34 = arith.constant 0 : index
      %get3A_35 = vector.load %arg5[%get3A_33, %get3A_34] : memref<1x1xf32, #tpu.memory_space<vmem>>, vector<1x1xf32>
      %get3A_36 = arith.constant 0 : index
      %get3A_37 = arith.constant 0 : index
      %get3A_38 = vector.load %arg4[%get3A_36, %get3A_37] : memref<1x1xf32, #tpu.memory_space<vmem>>, vector<1x1xf32>
      %add3A_39 = arith.addf %get3A_35, %get3A_38 : vector<1x1xf32>
      %mul3A_40 = arith.constant -6.10351563E-5 : f32
      %mul3A_41 = vector.broadcast %mul3A_40 : f32 to vector<1x1xf32>
      %mul3A_42 = arith.mulf %add3A_39, %mul3A_41 : vector<1x1xf32>
      %swap3A_43 = arith.constant 0 : index
      %swap3A_44 = arith.constant 0 : index
      %swap3A_45 = vector.load %arg5[%swap3A_43, %swap3A_44] : memref<1x1xf32, #tpu.memory_space<vmem>>, vector<1x1xf32>
      tpu.vector_store %arg5[%swap3A_43, %swap3A_44], %mul3A_42 {strides = array<i32>} : memref<1x1xf32, #tpu.memory_space<vmem>>, vector<1x1xf32>,
    } else {
    }
    return
  }
  func.func @transform_0(%arg0: i32) -> (i32, i32) {
    %c0_i32 = arith.constant 0 : i32
    %c0_i32_0 = arith.constant 0 : i32
    return %arg0, %c0_i32 : i32, i32
  }
  func.func @transform_1(%arg0: i32) -> (i32, i32) {
    %c0_i32 = arith.constant 0 : i32
    %c0_i32_0 = arith.constant 0 : i32
    return %arg0, %c0_i32 : i32, i32
  }
  func.func @transform_2(%arg0: i32) -> (i32, i32) {
    %c0_i32 = arith.constant 0 : i32
    %c0_i32_0 = arith.constant 0 : i32
    return %c0_i32, %arg0 : i32, i32
  }
  func.func @transform_3(%arg0: i32) -> (i32, i32) {
    %c0_i32 = arith.constant 0 : i32
    %c0_i32_0 = arith.constant 0 : i32
    %c0_i32_1 = arith.constant 0 : i32
    return %c0_i32, %c0_i32_0 : i32, i32
  }
  func.func @transform_4(%arg0: i32) -> (i32, i32) {
    %c0_i32 = arith.constant 0 : i32
    %c0_i32_0 = arith.constant 0 : i32
    %c0_i32_1 = arith.constant 0 : i32
    return %c0_i32, %c0_i32_0 : i32, i32
  }
}

</mosaic_0001>

<sc_bundles>
// kernel: kernel.5.cloned.1.call-start
scs
__scs_entry_jumppad:
0x0: {  	(pc) =	sbr.rel $0x88, $3  }
0x1: {  	(tag) =	ssettag $0x0;
	lr =	simm.s32 $0x1  }
0x2: {  	[smem:$0x3F9B] =	sst lr;
	_ =	strace $0xD0000000  }
0x3: {  	_ = 	snop  }
0x4: {  	_ = 	snop  }
0x5: {  	_ = 	snop  }
0x6: {  	_ = 	snop  }
0x7: {  	_ = 	snop  }
__scs_overlays_trampoline_lowered:
0x8: {  	[smem:$0x3FAA] =	sst s0  }
0x9: {  	[smem:$0x3FAB] =	sst s1  }
0xa: {  	[smem:$0x3FAC] =	sst s2  }
0xb: {  	[smem:$0x3FAD] =	sst s3  }
0xc: {  	[smem:$0x3FAE] =	sst s4  }
0xd: {  	[smem:$0x3FAF] =	sst s5  }
0xe: {  	[smem:$0x3FB0] =	sst s6  }
0xf: {  	[smem:$0x3FB1] =	sst s7  }
0x10: {  	[smem:$0x3FB2] =	sst s8  }
0x11: {  	[smem:$0x3FB3] =	sst s9;
	s0 =	simm.s32 @!p0 $0x0  }
0x12: {  	s1 =	sld [smem:$0x3F99];
	s0 =	simm.s32 @p0 $0x1  }
0x13: {  	[smem:$0x3FB4] =	sst s0;
	s0 =	simm.s32 @!p1 $0x0  }
0x14: {  	s2 =	sld [smem:$0x3F98];
	s0 =	simm.s32 @p1 $0x1  }
0x15: {  	[smem:$0x3FB5] =	sst s0;
	s0 =	simm.s32 @!p2 $0x0  }
0x16: {  	s3 =	sld [smem:$0x3FDB];
	s0 =	simm.s32 @p2 $0x1  }
0x17: {  	s4 =	simm.s32 $0x1BF5;
	[smem:$0x3FB7] =	sst s0  }
0x18: {  	s0 =	sld [smem:$0x3F9A];
	_ =	swait.ge [sflag:s4], $0x0  }
0x19: {  	s7 =	sld [smem:$0x3F9B]  }
0x1a: {  	s8 =	sadd.s32 $0xFFFFE003, lr  }
0x1b: {  	s9 =	sadd.s32 $0xFFFFFEF7, lr;
	s5 =	simm.s32 $0xFFFFFFFF;
	p2 =	slt.u32 s8, $0xFFFFF086  }
0x1c: {  	p1 =	slt.u32 s9, $0xF7A;
	s5 =	simm.s32 @!p2 $0x0  }
0x1d: {  	s5 =	simm.s32 @p1 $0x1;
	p0 =	seq.s32 s7, s2  }
0x1e: {  	s7 =	smul.u32 @!p0 $0xF7A, s2;
	p2 =	seq.s32 @!p0 s5, $0x0  }
0x1f: {  	s9 =	smul.u32 $0xF7A, s1;
	s8 =	simm.s32 @!p0 $0x1BF5;
	p2 =	por !p2, p0  }
0x20: {  	[sflag:s8] =	ssyncset.s32 @!p0 $0xFFFFF086;
	s6 =	sadd.s32 @!p0 s3, s7;
	s7 =	simm.s32 @!p0 $0x108  }
0x21: {  	s3 =	sadd.s32 s3, s9;
	s6 =	sadd.s32 @!p0 $0x88, s6;
	s7 =	simm.s32 @p2 $0x1082  }
0x22: {  	[simem:s7], [sflag:s8] =	dma.local @!p0 [hbm:s6], $0xF7A  }
0x23: {  	s9 =	sor.u32 $0xD0000000, s2;
	s6 =	simm.s32 $0x108;
	_ =	swait.ge @!p0 [sflag:s8], $0x0  }
0x24: {  	s3 =	sadd.s32 $0x88, s3;
	s6 =	simm.s32 @!p1 $0x1082;
	[sflag:s4] =	ssyncset.s32 $0xFFFFF086  }
0x25: {  	[simem:s6], [sflag:s4] =	dma.local [hbm:s3], $0xF7A  }
0x26: {  	[smem:$0x3F9B] =	sst s1;
	(tag) =	ssettag s2;
	_ =	strace s9  }
0x27: {  	s1 =	sld [smem:$0x3FAB]  }
0x28: {  	s2 =	sld [smem:$0x3FAC]  }
0x29: {  	s4 =	sld [smem:$0x3FAE]  }
0x2a: {  	p0 =	seq.s32 s5, $0x0;
	s5 =	sld [smem:$0x3FAF]  }
0x2b: {  	s6 =	sld [smem:$0x3FB0]  }
0x2c: {  	s7 =	sld [smem:$0x3FB1]  }
0x2d: {  	s3 =	simm.s32 $0x108;
	s8 =	sld [smem:$0x3FB2]  }
0x2e: {  	s3 =	simm.s32 @!p0 $0x1082;
	s9 =	sld [smem:$0x3FB3]  }
0x2f: {  	lr =	sadd.s32 s0, s3;
	s0 =	sld [smem:$0x3FAA]  }
0x30: {  	s3 =	sld [smem:$0x3FAD]  }
0x31: {  	[smem:$0x3FB6] =	sst s10  }
0x32: {  	s10 =	sld [smem:$0x3FB4];
	_ =	sdelay $0x3  }
0x33: {  	p0 =	seq.s32 s10, $0x1;
	s10 =	sld [smem:$0x3FB6];
	_ =	sdelay $0x3  }
0x34: {  	[smem:$0x3FB6] =	sst s10  }
0x35: {  	s10 =	sld [smem:$0x3FB5];
	_ =	sdelay $0x3  }
0x36: {  	p1 =	seq.s32 s10, $0x1;
	s10 =	sld [smem:$0x3FB6];
	_ =	sdelay $0x3  }
0x37: {  	[smem:$0x3FB6] =	sst s10  }
0x38: {  	s10 =	sld [smem:$0x3FB7]  }
0x39: {  	_ = 	snop;
	(pc) =	sbr.ind lr, $3  }
0x3a: {  	_ = 	snop  }
0x3b: {  	_ = 	snop  }
0x3c: {  	p2 =	seq.s32 s10, $0x1;
	s10 =	sld [smem:$0x3FB6]  }
0x3d: {  	_ =	shalt  }
0x3e: {  	_ =	shalt  }
0x3f: {  	_ =	shalt  }
0x40: {  	_ =	shalt  }
0x41: {  	_ =	shalt  }
0x42: {  	_ =	shalt  }
0x43: {  	_ =	shalt  }
0x44: {  	_ =	shalt  }
0x45: {  	_ =	shalt  }
0x46: {  	_ =	shalt  }
0x47: {  	_ =	shalt  }
0x48: {  	_ =	shalt  }
0x49: {  	_ =	shalt  }
0x4a: {  	_ =	shalt  }
0x4b: {  	_ =	shalt  }
0x4c: {  	_ =	shalt  }
0x4d: {  	_ =	shalt  }
0x4e: {  	_ =	shalt  }
0x4f: {  	_ =	shalt  }
0x50: {  	_ =	shalt  }
0x51: {  	_ =	shalt  }
0x52: {  	_ =	shalt  }
0x53: {  	_ =	shalt  }
0x54: {  	_ =	shalt  }
0x55: {  	_ =	shalt  }
0x56: {  	_ =	shalt  }
0x57: {  	_ =	shalt  }
0x58: {  	_ =	shalt  }
0x59: {  	_ =	shalt  }
0x5a: {  	_ =	shalt  }
0x5b: {  	_ =	shalt  }
0x5c: {  	_ =	shalt  }
0x5d: {  	_ =	shalt  }
0x5e: {  	_ =	shalt  }
0x5f: {  	_ =	shalt  }
0x60: {  	_ =	shalt  }
0x61: {  	_ =	shalt  }
0x62: {  	_ =	shalt  }
0x63: {  	_ =	shalt  }
0x64: {  	_ =	shalt  }
0x65: {  	_ =	shalt  }
0x66: {  	_ =	shalt  }
0x67: {  	_ =	shalt  }
0x68: {  	_ =	shalt  }
0x69: {  	_ =	shalt  }
0x6a: {  	_ =	shalt  }
0x6b: {  	_ =	shalt  }
0x6c: {  	_ =	shalt  }
0x6d: {  	_ =	shalt  }
0x6e: {  	_ =	shalt  }
0x6f: {  	_ =	shalt  }
0x70: {  	_ =	shalt  }
0x71: {  	_ =	shalt  }
0x72: {  	_ =	shalt  }
0x73: {  	_ =	shalt  }
0x74: {  	_ =	shalt  }
0x75: {  	_ =	shalt  }
0x76: {  	_ =	shalt  }
0x77: {  	_ =	shalt  }
0x78: {  	_ =	shalt  }
0x79: {  	_ =	shalt  }
0x7a: {  	_ =	shalt  }
0x7b: {  	_ =	shalt  }
0x7c: {  	_ =	shalt  }
0x7d: {  	_ =	shalt  }
0x7e: {  	_ =	shalt  }
0x7f: {  	_ =	shalt  }
0x80: {  	_ =	shalt  }
0x81: {  	_ =	shalt  }
0x82: {  	_ =	shalt  }
0x83: {  	_ =	shalt  }
0x84: {  	_ =	shalt  }
0x85: {  	_ =	shalt  }
0x86: {  	_ =	shalt  }
0x87: {  	_ =	shalt  }
.Lfunc_end0:
.L_simem_size_0:
called_computation_lowered:
.L_overlay_start_0:
0x88: {  	s2 =	sld [smem:$0x3FD9]  }
0x89: {  	s3 =	sld [smem:$0x3FFE];
	_ =	sdelay $0x1  }
0x8a: {  	s1 =	srdreg.scid  }
0x8b: {  	s0 =	sand.u32 $0x1, s1  }
0x8c: {  	s17 =	sshll.u32 s0, $0xA;
	s2 =	sadd.s32 s3, s2  }
0x8d: {  	s2 =	sadd.s32 s2, s17  }
0x8e: {  	[smem:$0x3FC2] =	sst s2  }
0x8f: {  	_ = 	snop  }
0x90: {  	s2 =	sld [smem:$0x3FC8]  }
0x91: {  	s18 =	sld [smem:$0x3FC7]  }
0x92: {  	s4 =	sld [smem:$0x3FC6]  }
0x93: {  	s5 =	sld [smem:$0x3FC5];
	(tm) =	ssettm $0x1  }
0x94: {  	s6 =	sld [smem:$0x3FFB];
	_ =	sdelay $0x3  }
0x95: {  	_ =	strace s6  }
0x96: {  	s6 =	sld [smem:$0x3FFC];
	_ =	sdelay $0x3  }
0x97: {  	_ =	strace s6  }
0x98: {  	s6 =	sld [smem:$0x3FFD];
	_ =	sdelay $0x3  }
0x99: {  	_ =	strace s6  }
0x9a: {  	_ =	strace $0x8FFFFFFF  }
0x9b: {  	s19 =	sld [smem:$0x3FDB];
	_ =	sdelay $0x1  }
0x9c: {  	s7 =	simm.s32 $_scs_section_size  }
0x9d: {  	s8 =	simm.s32 $_size__tile_overlayer_lowered;
	s9 =	simm.s32 $_tile_overlayer_lowered  }
0x9e: {  	s22 =	simm.s32 $0x1BFF;
	s21 =	sshll.u32 s9, $0x1;
	s6 =	sadd.s32 s7, s19  }
0x9f: {  	s10 =	simm.s32 $0x0;
	s20 =	sshll.u32 s8, $0x1;
	s8 =	sadd.s32 s21, s6  }
0xa0: {  	[timem:s10], [sflag:s22] =	dma.local [hbm:s8], s20  }
0xa1: {  	_ =	swait.ge [sflag:s22], s20  }
0xa2: {  	s7 =	ssub.s32 $0x0, s20;
	[sflag:s22] =	ssyncset.done $0x0  }
0xa3: {  	[sflag:s22] =	ssyncadd.s32 s7;
	_ =	sdelay $0x1  }
0xa4: {  	s23 =	simm.s32 $0x1B8B  }
0xa5: {  	_ =	swait.ge [sflag:s23], $0x1  }
0xa6: {  	[sflag:s23] =	ssyncset.done $0x0  }
0xa7: {  	s25 =	simm.s32 $0x1B8E;
	s24 =	sld [smem:$0x3FFE];
	[sflag:s23] =	ssyncadd.s32 $0xFFFFFFFF  }
0xa8: {  	s26 =	simm.s32 $execute0_lowered;
	[smem:$0x3FD2] =	sst s25  }
0xa9: {  	s8 =	sshll.u32 s26, $0x1;
	_ =	strace $0x80000046;
	[dreg:$0x1] =	wrdreg $0xFFFFFFFF  }
0xaa: {  	s28 =	simm.s32 $_size_execute0_lowered;
	s6 =	sadd.s32 s6, s8;
	[dreg:$0x0] =	wrdreg $0x0  }
0xab: {  	s8 =	sshll.u32 s28, $0x1;
	[dreg:$0x2] =	wrdreg s6  }
0xac: {  	[dreg:$0x3] =	wrdreg s8  }
0xad: {  	[dreg:$0x4] =	wrdreg $0xC0  }
0xae: {  	_ =	task [dreg:s10], $0x5FFFF  }
0xaf: {  	[dreg:$0x1] =	wrdreg $0xFFFFFFFF  }
0xb0: {  	[dreg:$0x0] =	wrdreg $0x60  }
0xb1: {  	[dreg:$0x2] =	wrdreg s18  }
0xb2: {  	[dreg:$0x3] =	wrdreg s4  }
0xb3: {  	[dreg:$0x4] =	wrdreg s5  }
0xb4: {  	[dreg:$0x5] =	wrdreg s2  }
0xb5: {  	[dreg:$0x6] =	wrdreg s24  }
0xb6: {  	[dreg:$0x7] =	wrdreg $0x9  }
0xb7: {  	_ =	task.clear_ibuf [dreg:s10], $0x8FFFF;
	_ =	strace $0x90000046  }
0xb8: {  	s29 =	simm.s32 $0x9;
	_ =	strace $0x80000048  }
0xb9: {  	_ =	swait.ge [sflag:s29], $0x1  }
0xba: {  	[sflag:s29] =	ssyncadd.s32 $0xFFFFFFFF  }
0xbb: {  	_ =	strace $0x90000048  }
0xbc: {  	_ =	sfence  }
0xbd: {  	s30 =	sld [smem:$0x0];
	_ =	sdelay $0x2  }
0xbe: {  	s31 =	sshll.u32 s1, $0xD;
	s1 =	sshrl.u32 s1, $0x2  }
0xbf: {  	s3 =	sand.u32 $0x4000, s31;
	s1 =	sadd.s32 s1, s30  }
0xc0: {  	s0 =	sor.u32 s3, s0;
	s1 =	sshll.u32 s1, $0x11  }
0xc1: {  	s0 =	sor.u32 s1, s0  }
0xc2: {  	s0 =	sadd.s32 $0x8F2B, s0  }
0xc3: {  	[sflag:s0] =	ssyncadd.remote.s32 $0x1  }
0xc4: {  	_ =	sfence.sel $0xFFFF  }
0xc5: {  	[dreg:$0x0] =	wrdreg $0xFFFFFFFF;
	(pc) =	sbr.abs _section_cstart, $3  }
0xc6: {  	[dreg:$0x1] =	wrdreg $0xFFFFFFFF  }
0xc7: {  	_ =	task.clear_ibuf [dreg:s10], $0x2FFFF;
	_ =	strace $0x9FFFFFFF  }
0xc8: {  	(tm) =	ssettm $0x7FFFFFFF  }
0xc9: {  	_ =	shalt  }
tec
execute0_lowered:
.L_overlay_start_1:
0x0: {  	(tag) =	ssettag $0x1  }
0x1: {  	s0 =	rddreg [dreg:$0x0];
	v0 =	vlaneseq.u32  }
0x2: {  	s1 =	rddreg [dreg:$0x1];
	v1 =	vor.u32 $0x80, v0;
	v4 =	vor.u32 $0x20, v0;
	v5 =	vor.u32 $0xA0, v0  }
0x3: {  	s2 =	rddreg [dreg:$0x2];
	v6 =	vor.u32 $0x30, v0;
	v7 =	vor.u32 $0xB0, v0;
	v8 =	vor.u32 $0x40, v0  }
0x4: {  	s9 =	rddreg [dreg:$0x3];
	v9 =	vor.u32 $0xC0, v0;
	v10 =	vor.u32 $0x50, v0;
	v11 =	vor.u32 $0xD0, v0  }
0x5: {  	s6 =	rddreg [dreg:$0x4];
	v12 =	vor.u32 $0x60, v0;
	v13 =	vor.u32 $0xE0, v0;
	v14 =	vor.u32 $0x70, v0  }
0x6: {  	s3 =	rddreg [dreg:$0x5];
	v15 =	vor.u32 $0xF0, v0;
	v16 =	vor.u32 $0x400, v0;
	v17 =	vor.u32 $0x480, v0  }
0x7: {  	s7 =	srdreg.scid;
	s5 =	simm.s32 $0x0;
	s4 =	stileid.u32;
	v18 =	vor.u32 $0x410, v0;
	v19 =	vor.u32 $0x490, v0;
	v20 =	vor.u32 $0x420, v0  }
0x8: {  	s19 =	simm.s32 $0x9200;
	s20 =	simm.s32 $0x9600;
	s21 =	simm.s32 $0x1;
	v21 =	vor.u32 $0x4A0, v0;
	v22 =	vor.u32 $0x430, v0;
	v23 =	vor.u32 $0x4B0, v0  }
0x9: {  	s22 =	simm.s32 $0x200;
	s23 =	simm.s32 $0x2;
	s24 =	simm.s32 $0x8200;
	v24 =	vor.u32 $0x440, v0;
	v25 =	vor.u32 $0x4C0, v0;
	v26 =	vor.u32 $0x450, v0  }
0xa: {  	s25 =	simm.s32 $0x3;
	s28 =	simm.s32 $0x5;
	s7 =	sand.u32 $0x1, s7;
	v27 =	vor.u32 $0x4D0, v0;
	v28 =	vor.u32 $0x460, v0;
	v29 =	vor.u32 $0x4E0, v0  }
0xb: {  	s29 =	simm.s32 $0x4;
	s8 =	sshll.u32 s4, $0xA;
	v30 =	vor.u32 $0x470, v0;
	v31 =	vor.u32 $0x4F0, v0;
	v32 =	vor.u32 $0x800, v0;
	s10 =	sshll.u32 s7, $0x9  }
0xc: {  	[smem:$0x7FF] =	sst s5;
	v33 =	vor.u32 $0x880, v0;
	v34 =	vor.u32 $0x810, v0;
	v35 =	vor.u32 $0x890, v0;
	s26 =	ssub.s32 $0x2, s7;
	s8 =	sor.u32 s10, s8  }
0xd: {  	s13 =	sadd.s32 $0x1200, s6;
	v36 =	vor.u32 $0x820, v0;
	v37 =	vor.u32 $0x8A0, v0;
	[tilespmem:$0x1FFD0] =	vst v1;
	v1 =	vor.u32 $0x10, v0;
	s7 =	sshrl.u32 s26, $0x1;
	s14 =	sadd.s32 s8, s6  }
0xe: {  	v38 =	vor.u32 $0x830, v0;
	v39 =	vor.u32 $0x8B0, v0;
	[tilespmem:$0x1FFE0] =	vst v1;
	v1 =	vor.u32 $0x90, v0;
	s10 =	sshrl.u32 s8, $0x3;
	s11 =	sor.u32 $0x80, s8;
	s15 =	ssub.s32 s26, s7  }
0xf: {  	v40 =	vor.u32 $0x840, v0;
	v41 =	vor.u32 $0x8C0, v0;
	v42 =	vor.u32 $0x850, v0;
	[tilespmem:$0x1FFF0] =	vst v1;
	s12 =	sor.u32 $0x100, s8;
	s16 =	sor.u32 $0x180, s8;
	s18 =	sshll.u32 s8, $0x4  }
0x10: {  	v43 =	vor.u32 $0x8D0, v0;
	v44 =	vor.u32 $0x860, v0;
	v45 =	vor.u32 $0x8E0, v0;
	s26 =	simm.s32 $0x4200;
	_ =	strace $0x80000047;
	s6 =	sadd.s32 s9, s10  }
0x11: {  	v46 =	vor.u32 $0x870, v0;
	v47 =	vor.u32 $0x8F0, v0;
	v48 =	vor.u32 $0xC00, v0;
	s30 =	sshrl.u32 s11, $0x3;
	s31 =	sshrl.u32 s12, $0x3;
	s17 =	sshrl.u32 s16, $0x3  }
0x12: {  	v49 =	vor.u32 $0xC80, v0;
	v50 =	vor.u32 $0xC10, v0;
	v51 =	vor.u32 $0xC90, v0;
	s10 =	sadd.s32 s13, s18;
	s11 =	sshll.u32 s11, $0x4;
	s12 =	sshll.u32 s12, $0x4  }
0x13: {  	v52 =	vor.u32 $0xC20, v0;
	v53 =	vor.u32 $0xCA0, v0;
	v54 =	vor.u32 $0xC30, v0;
	s16 =	sshll.u32 s16, $0x4;
	s14 =	sadd.s32 $0x41200, s14;
	s15 =	smax.u32 s15, $0x1  }
0x14: {  	v55 =	vor.u32 $0xCB0, v0;
	v56 =	vor.u32 $0xC40, v0;
	v57 =	vor.u32 $0xCC0, v0;
	s18 =	simm.s32 $0x180;
	s7 =	sadd.s32 s9, s30;
	s8 =	sadd.s32 s9, s31  }
0x15: {  	v58 =	vor.u32 $0xC50, v0;
	v59 =	vor.u32 $0xCD0, v0;
	v60 =	vor.u32 $0xC60, v0;
	s9 =	sadd.s32 s9, s17;
	s11 =	sadd.s32 s13, s11;
	s12 =	sadd.s32 s13, s12  }
0x16: {  	v61 =	vor.u32 $0xCE0, v0;
	v62 =	vor.u32 $0xC70, v0;
	v63 =	vor.u32 $0xCF0, v0;
	s13 =	sadd.s32 s13, s16;
	s16 =	simm.s32 $0x80;
	s17 =	simm.s32 $0x100  }
.LBB2_1:
0x17: {  	[tilespmem:s5], [sflag:$0x1] =	stream.linear.gather [hbm4b:s6+s5], $0x80, $0x38;
	[tilespmem:$0x9A00] =	vst v63  }
0x18: {  	_ = 	snop  }
0x19: {  	[tilespmem:s16], [sflag:$0x1] =	stream.linear.gather [hbm4b:s7+s5], $0x80, $0x38;
	[tilespmem:$0x9A00] =	vst v63  }
0x1a: {  	_ = 	snop  }
0x1b: {  	[tilespmem:s17], [sflag:$0x1] =	stream.linear.gather [hbm4b:s8+s5], $0x80, $0x38;
	[tilespmem:$0x9A00] =	vst v63  }
0x1c: {  	_ = 	snop  }
0x1d: {  	[tilespmem:s18], [sflag:$0x1] =	stream.linear.gather [hbm4b:s9+s5], $0x80, $0x38;
	[tilespmem:$0x9A00] =	vst v63  }
0x1e: {  	_ = 	snop  }
0x1f: {  	[tilespmem:s19], [sflag:$0x2] =	stream.linear.gather [hbm4b:s1+s5], $0x400, $0x38;
	[tilespmem:$0x9A00] =	vst v63  }
0x20: {  	_ = 	snop  }
0x21: {  	[tilespmem:s20], [sflag:$0x2] =	stream.linear.gather [hbm4b:s2+s5], $0x400, $0x38;
	[tilespmem:$0x9A00] =	vst v63  }
0x22: {  	_ =	swait.ge [sflag:s21], $0x80  }
0x23: {  	[sflag:s21] =	ssyncset.done $0x0  }
0x24: {  	[sflag:s21] =	ssyncadd.s32 $0xFFFFFF80  }
0x25: {  	_ =	swait.ge [sflag:s21], $0x80  }
0x26: {  	[sflag:s21] =	ssyncset.done $0x0  }
0x27: {  	[sflag:s21] =	ssyncadd.s32 $0xFFFFFF80  }
0x28: {  	_ =	swait.ge [sflag:s21], $0x80  }
0x29: {  	[sflag:s21] =	ssyncset.done $0x0  }
0x2a: {  	[sflag:s21] =	ssyncadd.s32 $0xFFFFFF80  }
0x2b: {  	_ =	swait.ge [sflag:s21], $0x80  }
0x2c: {  	[sflag:s21] =	ssyncset.done $0x0  }
0x2d: {  	[sflag:s21] =	ssyncadd.s32 $0xFFFFFF80  }
0x2e: {  	[tilespmem:s22], [sflag:$0x3] =	stream.indirect.gather [hbm4b:s0+s16], $0x80, s5, s16, $0xb8;
	[tilespmem:$0x9A00] =	vst v63  }
0x2f: {  	_ =	swait.ge [sflag:s23], $0x400  }
0x30: {  	[sflag:s23] =	ssyncset.done $0x0  }
0x31: {  	[sflag:s23] =	ssyncadd.s32 $0xFFFFFC00  }
0x32: {  	_ =	swait.ge [sflag:s23], $0x400  }
0x33: {  	[sflag:s23] =	ssyncset.done $0x0  }
0x34: {  	[sflag:s23] =	ssyncadd.s32 $0xFFFFFC00  }
0x35: {  	v1 =	vld [tilespmem:$0x0];
	_ =	sdelay $0x7  }
0x36: {  	v2 =	vld.idx.msk [tilespmem:v1+s19+$0x0], $0xffff;
	_ =	sdelay $0x3  }
0x37: {  	v1 =	vld.idx.msk [tilespmem:v1+s20+$0x0], $0xffff  }
0x38: {  	[tilespmem:v0+s24+$0x0] =	vst.idx.msk $0xffff, v2;
	v2 =	vld [tilespmem:$0x1FFD0];
	_ =	sdelay $0x7  }
0x39: {  	[tilespmem:v2+s24+$0x0] =	vst.idx.msk $0xffff, v1  }
0x3a: {  	v1 =	vld [tilespmem:$0x10];
	_ =	sdelay $0x4  }
0x3b: {  	v3 =	vld [tilespmem:$0x1FFE0];
	_ =	sdelay $0x2  }
0x3c: {  	v2 =	vld.idx.msk [tilespmem:v1+s19+$0x0], $0xffff;
	_ =	sdelay $0x3  }
0x3d: {  	v1 =	vld.idx.msk [tilespmem:v1+s20+$0x0], $0xffff  }
0x3e: {  	[tilespmem:v3+s24+$0x0] =	vst.idx.msk $0xffff, v2;
	v2 =	vld [tilespmem:$0x1FFF0];
	_ =	sdelay $0x7  }
0x3f: {  	[tilespmem:v2+s24+$0x0] =	vst.idx.msk $0xffff, v1  }
0x40: {  	v1 =	vld [tilespmem:$0x20];
	_ =	sdelay $0x7  }
0x41: {  	v2 =	vld.idx.msk [tilespmem:v1+s19+$0x0], $0xffff  }
0x42: {  	v1 =	vld.idx.msk [tilespmem:v1+s20+$0x0], $0xffff;
	_ =	sdelay $0x3  }
0x43: {  	[tilespmem:v4+s24+$0x0] =	vst.idx.msk $0xffff, v2  }
0x44: {  	[tilespmem:v5+s24+$0x0] =	vst.idx.msk $0xffff, v1  }
0x45: {  	v1 =	vld [tilespmem:$0x30];
	_ =	sdelay $0x7  }
0x46: {  	v2 =	vld.idx.msk [tilespmem:v1+s19+$0x0], $0xffff  }
0x47: {  	v1 =	vld.idx.msk [tilespmem:v1+s20+$0x0], $0xffff;
	_ =	sdelay $0x3  }
0x48: {  	[tilespmem:v6+s24+$0x0] =	vst.idx.msk $0xffff, v2  }
0x49: {  	[tilespmem:v7+s24+$0x0] =	vst.idx.msk $0xffff, v1  }
0x4a: {  	v1 =	vld [tilespmem:$0x40];
	_ =	sdelay $0x7  }
0x4b: {  	v2 =	vld.idx.msk [tilespmem:v1+s19+$0x0], $0xffff  }
0x4c: {  	v1 =	vld.idx.msk [tilespmem:v1+s20+$0x0], $0xffff;
	_ =	sdelay $0x3  }
0x4d: {  	[tilespmem:v8+s24+$0x0] =	vst.idx.msk $0xffff, v2  }
0x4e: {  	[tilespmem:v9+s24+$0x0] =	vst.idx.msk $0xffff, v1  }
0x4f: {  	v1 =	vld [tilespmem:$0x50];
	_ =	sdelay $0x7  }
0x50: {  	v2 =	vld.idx.msk [tilespmem:v1+s19+$0x0], $0xffff  }
0x51: {  	v1 =	vld.idx.msk [tilespmem:v1+s20+$0x0], $0xffff;
	_ =	sdelay $0x3  }
0x52: {  	[tilespmem:v10+s24+$0x0] =	vst.idx.msk $0xffff, v2  }
0x53: {  	[tilespmem:v11+s24+$0x0] =	vst.idx.msk $0xffff, v1  }
0x54: {  	v1 =	vld [tilespmem:$0x60];
	_ =	sdelay $0x7  }
0x55: {  	v2 =	vld.idx.msk [tilespmem:v1+s19+$0x0], $0xffff  }
0x56: {  	v1 =	vld.idx.msk [tilespmem:v1+s20+$0x0], $0xffff;
	_ =	sdelay $0x3  }
0x57: {  	[tilespmem:v12+s24+$0x0] =	vst.idx.msk $0xffff, v2  }
0x58: {  	[tilespmem:v13+s24+$0x0] =	vst.idx.msk $0xffff, v1  }
0x59: {  	v1 =	vld [tilespmem:$0x70];
	_ =	sdelay $0x7  }
0x5a: {  	v2 =	vld.idx.msk [tilespmem:v1+s19+$0x0], $0xffff  }
0x5b: {  	v1 =	vld.idx.msk [tilespmem:v1+s20+$0x0], $0xffff;
	_ =	sdelay $0x3  }
0x5c: {  	[tilespmem:v14+s24+$0x0] =	vst.idx.msk $0xffff, v2  }
0x5d: {  	[tilespmem:v15+s24+$0x0] =	vst.idx.msk $0xffff, v1  }
0x5e: {  	v1 =	vld [tilespmem:$0x80];
	_ =	sdelay $0x7  }
0x5f: {  	v2 =	vld.idx.msk [tilespmem:v1+s19+$0x0], $0xffff  }
0x60: {  	v1 =	vld.idx.msk [tilespmem:v1+s20+$0x0], $0xffff;
	_ =	sdelay $0x3  }
0x61: {  	[tilespmem:v16+s24+$0x0] =	vst.idx.msk $0xffff, v2  }
0x62: {  	[tilespmem:v17+s24+$0x0] =	vst.idx.msk $0xffff, v1  }
0x63: {  	v1 =	vld [tilespmem:$0x90];
	_ =	sdelay $0x7  }
0x64: {  	v2 =	vld.idx.msk [tilespmem:v1+s19+$0x0], $0xffff  }
0x65: {  	v1 =	vld.idx.msk [tilespmem:v1+s20+$0x0], $0xffff;
	_ =	sdelay $0x3  }
0x66: {  	[tilespmem:v18+s24+$0x0] =	vst.idx.msk $0xffff, v2  }
0x67: {  	[tilespmem:v19+s24+$0x0] =	vst.idx.msk $0xffff, v1  }
0x68: {  	v1 =	vld [tilespmem:$0xA0];
	_ =	sdelay $0x7  }
0x69: {  	v2 =	vld.idx.msk [tilespmem:v1+s19+$0x0], $0xffff  }
0x6a: {  	v1 =	vld.idx.msk [tilespmem:v1+s20+$0x0], $0xffff;
	_ =	sdelay $0x3  }
0x6b: {  	[tilespmem:v20+s24+$0x0] =	vst.idx.msk $0xffff, v2  }
0x6c: {  	[tilespmem:v21+s24+$0x0] =	vst.idx.msk $0xffff, v1  }
0x6d: {  	v1 =	vld [tilespmem:$0xB0];
	_ =	sdelay $0x7  }
0x6e: {  	v2 =	vld.idx.msk [tilespmem:v1+s19+$0x0], $0xffff  }
0x6f: {  	v1 =	vld.idx.msk [tilespmem:v1+s20+$0x0], $0xffff;
	_ =	sdelay $0x3  }
0x70: {  	[tilespmem:v22+s24+$0x0] =	vst.idx.msk $0xffff, v2  }
0x71: {  	[tilespmem:v23+s24+$0x0] =	vst.idx.msk $0xffff, v1  }
0x72: {  	v1 =	vld [tilespmem:$0xC0];
	_ =	sdelay $0x7  }
0x73: {  	v2 =	vld.idx.msk [tilespmem:v1+s19+$0x0], $0xffff  }
0x74: {  	v1 =	vld.idx.msk [tilespmem:v1+s20+$0x0], $0xffff;
	_ =	sdelay $0x3  }
0x75: {  	[tilespmem:v24+s24+$0x0] =	vst.idx.msk $0xffff, v2  }
0x76: {  	[tilespmem:v25+s24+$0x0] =	vst.idx.msk $0xffff, v1  }
0x77: {  	v1 =	vld [tilespmem:$0xD0];
	_ =	sdelay $0x7  }
0x78: {  	v2 =	vld.idx.msk [tilespmem:v1+s19+$0x0], $0xffff  }
0x79: {  	v1 =	vld.idx.msk [tilespmem:v1+s20+$0x0], $0xffff;
	_ =	sdelay $0x3  }
0x7a: {  	[tilespmem:v26+s24+$0x0] =	vst.idx.msk $0xffff, v2  }
0x7b: {  	[tilespmem:v27+s24+$0x0] =	vst.idx.msk $0xffff, v1  }
0x7c: {  	v1 =	vld [tilespmem:$0xE0];
	_ =	sdelay $0x7  }
0x7d: {  	v2 =	vld.idx.msk [tilespmem:v1+s19+$0x0], $0xffff  }
0x7e: {  	v1 =	vld.idx.msk [tilespmem:v1+s20+$0x0], $0xffff;
	_ =	sdelay $0x3  }
0x7f: {  	[tilespmem:v28+s24+$0x0] =	vst.idx.msk $0xffff, v2  }
0x80: {  	[tilespmem:v29+s24+$0x0] =	vst.idx.msk $0xffff, v1  }
0x81: {  	v1 =	vld [tilespmem:$0xF0];
	_ =	sdelay $0x7  }
0x82: {  	v2 =	vld.idx.msk [tilespmem:v1+s19+$0x0], $0xffff  }
0x83: {  	v1 =	vld.idx.msk [tilespmem:v1+s20+$0x0], $0xffff;
	_ =	sdelay $0x3  }
0x84: {  	[tilespmem:v30+s24+$0x0] =	vst.idx.msk $0xffff, v2  }
0x85: {  	[tilespmem:v31+s24+$0x0] =	vst.idx.msk $0xffff, v1  }
0x86: {  	v1 =	vld [tilespmem:$0x100];
	_ =	sdelay $0x7  }
0x87: {  	v2 =	vld.idx.msk [tilespmem:v1+s19+$0x0], $0xffff  }
0x88: {  	v1 =	vld.idx.msk [tilespmem:v1+s20+$0x0], $0xffff;
	_ =	sdelay $0x3  }
0x89: {  	[tilespmem:v32+s24+$0x0] =	vst.idx.msk $0xffff, v2  }
0x8a: {  	[tilespmem:v33+s24+$0x0] =	vst.idx.msk $0xffff, v1  }
0x8b: {  	v1 =	vld [tilespmem:$0x110];
	_ =	sdelay $0x7  }
0x8c: {  	v2 =	vld.idx.msk [tilespmem:v1+s19+$0x0], $0xffff  }
0x8d: {  	v1 =	vld.idx.msk [tilespmem:v1+s20+$0x0], $0xffff;
	_ =	sdelay $0x3  }
0x8e: {  	[tilespmem:v34+s24+$0x0] =	vst.idx.msk $0xffff, v2  }
0x8f: {  	[tilespmem:v35+s24+$0x0] =	vst.idx.msk $0xffff, v1  }
0x90: {  	v1 =	vld [tilespmem:$0x120];
	_ =	sdelay $0x7  }
0x91: {  	v2 =	vld.idx.msk [tilespmem:v1+s19+$0x0], $0xffff  }
0x92: {  	v1 =	vld.idx.msk [tilespmem:v1+s20+$0x0], $0xffff;
	_ =	sdelay $0x3  }
0x93: {  	[tilespmem:v36+s24+$0x0] =	vst.idx.msk $0xffff, v2  }
0x94: {  	[tilespmem:v37+s24+$0x0] =	vst.idx.msk $0xffff, v1  }
0x95: {  	v1 =	vld [tilespmem:$0x130];
	_ =	sdelay $0x7  }
0x96: {  	v2 =	vld.idx.msk [tilespmem:v1+s19+$0x0], $0xffff  }
0x97: {  	v1 =	vld.idx.msk [tilespmem:v1+s20+$0x0], $0xffff;
	_ =	sdelay $0x3  }
0x98: {  	[tilespmem:v38+s24+$0x0] =	vst.idx.msk $0xffff, v2  }
0x99: {  	[tilespmem:v39+s24+$0x0] =	vst.idx.msk $0xffff, v1  }
0x9a: {  	v1 =	vld [tilespmem:$0x140];
	_ =	sdelay $0x7  }
0x9b: {  	v2 =	vld.idx.msk [tilespmem:v1+s19+$0x0], $0xffff  }
0x9c: {  	v1 =	vld.idx.msk [tilespmem:v1+s20+$0x0], $0xffff;
	_ =	sdelay $0x3  }
0x9d: {  	[tilespmem:v40+s24+$0x0] =	vst.idx.msk $0xffff, v2  }
0x9e: {  	[tilespmem:v41+s24+$0x0] =	vst.idx.msk $0xffff, v1  }
0x9f: {  	v1 =	vld [tilespmem:$0x150];
	_ =	sdelay $0x7  }
0xa0: {  	v2 =	vld.idx.msk [tilespmem:v1+s19+$0x0], $0xffff  }
0xa1: {  	v1 =	vld.idx.msk [tilespmem:v1+s20+$0x0], $0xffff;
	_ =	sdelay $0x3  }
0xa2: {  	[tilespmem:v42+s24+$0x0] =	vst.idx.msk $0xffff, v2  }
0xa3: {  	[tilespmem:v43+s24+$0x0] =	vst.idx.msk $0xffff, v1  }
0xa4: {  	v1 =	vld [tilespmem:$0x160];
	_ =	sdelay $0x7  }
0xa5: {  	v2 =	vld.idx.msk [tilespmem:v1+s19+$0x0], $0xffff  }
0xa6: {  	v1 =	vld.idx.msk [tilespmem:v1+s20+$0x0], $0xffff;
	_ =	sdelay $0x3  }
0xa7: {  	[tilespmem:v44+s24+$0x0] =	vst.idx.msk $0xffff, v2  }
0xa8: {  	[tilespmem:v45+s24+$0x0] =	vst.idx.msk $0xffff, v1  }
0xa9: {  	v1 =	vld [tilespmem:$0x170];
	_ =	sdelay $0x7  }
0xaa: {  	v2 =	vld.idx.msk [tilespmem:v1+s19+$0x0], $0xffff  }
0xab: {  	v1 =	vld.idx.msk [tilespmem:v1+s20+$0x0], $0xffff;
	_ =	sdelay $0x3  }
0xac: {  	[tilespmem:v46+s24+$0x0] =	vst.idx.msk $0xffff, v2  }
0xad: {  	[tilespmem:v47+s24+$0x0] =	vst.idx.msk $0xffff, v1  }
0xae: {  	v1 =	vld [tilespmem:$0x180];
	_ =	sdelay $0x7  }
0xaf: {  	v2 =	vld.idx.msk [tilespmem:v1+s19+$0x0], $0xffff  }
0xb0: {  	v1 =	vld.idx.msk [tilespmem:v1+s20+$0x0], $0xffff;
	_ =	sdelay $0x3  }
0xb1: {  	[tilespmem:v48+s24+$0x0] =	vst.idx.msk $0xffff, v2  }
0xb2: {  	[tilespmem:v49+s24+$0x0] =	vst.idx.msk $0xffff, v1  }
0xb3: {  	v1 =	vld [tilespmem:$0x190];
	_ =	sdelay $0x7  }
0xb4: {  	v2 =	vld.idx.msk [tilespmem:v1+s19+$0x0], $0xffff  }
0xb5: {  	v1 =	vld.idx.msk [tilespmem:v1+s20+$0x0], $0xffff;
	_ =	sdelay $0x3  }
0xb6: {  	[tilespmem:v50+s24+$0x0] =	vst.idx.msk $0xffff, v2  }
0xb7: {  	[tilespmem:v51+s24+$0x0] =	vst.idx.msk $0xffff, v1  }
0xb8: {  	v1 =	vld [tilespmem:$0x1A0];
	_ =	sdelay $0x7  }
0xb9: {  	v2 =	vld.idx.msk [tilespmem:v1+s19+$0x0], $0xffff  }
0xba: {  	v1 =	vld.idx.msk [tilespmem:v1+s20+$0x0], $0xffff;
	_ =	sdelay $0x3  }
0xbb: {  	[tilespmem:v52+s24+$0x0] =	vst.idx.msk $0xffff, v2  }
0xbc: {  	[tilespmem:v53+s24+$0x0] =	vst.idx.msk $0xffff, v1  }
0xbd: {  	v1 =	vld [tilespmem:$0x1B0];
	_ =	sdelay $0x7  }
0xbe: {  	v2 =	vld.idx.msk [tilespmem:v1+s19+$0x0], $0xffff  }
0xbf: {  	v1 =	vld.idx.msk [tilespmem:v1+s20+$0x0], $0xffff;
	_ =	sdelay $0x3  }
0xc0: {  	[tilespmem:v54+s24+$0x0] =	vst.idx.msk $0xffff, v2  }
0xc1: {  	[tilespmem:v55+s24+$0x0] =	vst.idx.msk $0xffff, v1  }
0xc2: {  	v1 =	vld [tilespmem:$0x1C0];
	_ =	sdelay $0x7  }
0xc3: {  	v2 =	vld.idx.msk [tilespmem:v1+s19+$0x0], $0xffff  }
0xc4: {  	v1 =	vld.idx.msk [tilespmem:v1+s20+$0x0], $0xffff;
	_ =	sdelay $0x3  }
0xc5: {  	[tilespmem:v56+s24+$0x0] =	vst.idx.msk $0xffff, v2  }
0xc6: {  	[tilespmem:v57+s24+$0x0] =	vst.idx.msk $0xffff, v1  }
0xc7: {  	v1 =	vld [tilespmem:$0x1D0];
	_ =	sdelay $0x7  }
0xc8: {  	v2 =	vld.idx.msk [tilespmem:v1+s19+$0x0], $0xffff  }
0xc9: {  	v1 =	vld.idx.msk [tilespmem:v1+s20+$0x0], $0xffff;
	_ =	sdelay $0x3  }
0xca: {  	[tilespmem:v58+s24+$0x0] =	vst.idx.msk $0xffff, v2  }
0xcb: {  	[tilespmem:v59+s24+$0x0] =	vst.idx.msk $0xffff, v1  }
0xcc: {  	v1 =	vld [tilespmem:$0x1E0];
	_ =	sdelay $0x7  }
0xcd: {  	v2 =	vld.idx.msk [tilespmem:v1+s19+$0x0], $0xffff  }
0xce: {  	v1 =	vld.idx.msk [tilespmem:v1+s20+$0x0], $0xffff;
	_ =	sdelay $0x3  }
0xcf: {  	[tilespmem:v60+s24+$0x0] =	vst.idx.msk $0xffff, v2  }
0xd0: {  	[tilespmem:v61+s24+$0x0] =	vst.idx.msk $0xffff, v1  }
0xd1: {  	v1 =	vld [tilespmem:$0x1F0];
	_ =	sdelay $0x7  }
0xd2: {  	v2 =	vld.idx.msk [tilespmem:v1+s19+$0x0], $0xffff  }
0xd3: {  	v1 =	vld.idx.msk [tilespmem:v1+s20+$0x0], $0xffff;
	_ =	sdelay $0x3  }
0xd4: {  	[tilespmem:v62+s24+$0x0] =	vst.idx.msk $0xffff, v2  }
0xd5: {  	[tilespmem:v63+s24+$0x0] =	vst.idx.msk $0xffff, v1  }
0xd6: {  	_ =	swait.ge [sflag:s25], $0x4000  }
0xd7: {  	[sflag:s25] =	ssyncset.done $0x0  }
0xd8: {  	[sflag:s25] =	ssyncadd.s32 $0xFFFFC000  }
0xd9: {  	[tilespmem:s26], [sflag:$0x4] =	stream.indirect.gather [hbm4b:s0+s16], $0x80, s16, s16, $0xb8;
	[tilespmem:$0x9A00] =	vst v63  }
0xda: {  	_ = 	snop  }
0xdb: {  	[hbm4b:s10+s5] =	stream.linear.scatter [tilespmem:s22], [sflag:$0x5], $0x4000, $0x38;
	[tilespmem:$0x9A00] =	vst v63  }
0xdc: {  	_ =	swait.ge [sflag:s28], $0x4000  }
0xdd: {  	[sflag:s28] =	ssyncset.done $0x0  }
0xde: {  	[sflag:s28] =	ssyncadd.s32 $0xFFFFC000  }
0xdf: {  	_ =	swait.ge [sflag:s29], $0x4000  }
0xe0: {  	[sflag:s29] =	ssyncset.done $0x0  }
0xe1: {  	[sflag:s29] =	ssyncadd.s32 $0xFFFFC000  }
0xe2: {  	[tilespmem:s22], [sflag:$0x3] =	stream.indirect.gather [hbm4b:s0+s16], $0x80, s17, s16, $0xb8;
	[tilespmem:$0x9A00] =	vst v63  }
0xe3: {  	_ = 	snop  }
0xe4: {  	[hbm4b:s11+s5] =	stream.linear.scatter [tilespmem:s26], [sflag:$0x5], $0x4000, $0x38;
	[tilespmem:$0x9A00] =	vst v63  }
0xe5: {  	_ =	swait.ge [sflag:s28], $0x4000  }
0xe6: {  	[sflag:s28] =	ssyncset.done $0x0  }
0xe7: {  	[sflag:s28] =	ssyncadd.s32 $0xFFFFC000  }
0xe8: {  	_ =	swait.ge [sflag:s25], $0x4000  }
0xe9: {  	[sflag:s25] =	ssyncset.done $0x0  }
0xea: {  	[sflag:s25] =	ssyncadd.s32 $0xFFFFC000  }
0xeb: {  	[tilespmem:s26], [sflag:$0x4] =	stream.indirect.gather [hbm4b:s0+s16], $0x80, s18, s16, $0xb8;
	[tilespmem:$0x9A00] =	vst v63  }
0xec: {  	_ = 	snop  }
0xed: {  	[hbm4b:s12+s5] =	stream.linear.scatter [tilespmem:s22], [sflag:$0x5], $0x4000, $0x38;
	[tilespmem:$0x9A00] =	vst v63  }
0xee: {  	_ =	swait.ge [sflag:s28], $0x4000  }
0xef: {  	[sflag:s28] =	ssyncset.done $0x0  }
0xf0: {  	[sflag:s28] =	ssyncadd.s32 $0xFFFFC000  }
0xf1: {  	_ =	swait.ge [sflag:s29], $0x4000  }
0xf2: {  	[sflag:s29] =	ssyncset.done $0x0  }
0xf3: {  	[sflag:s29] =	ssyncadd.s32 $0xFFFFC000  }
0xf4: {  	[hbm4b:s13+s5] =	stream.linear.scatter [tilespmem:s26], [sflag:$0x5], $0x4000, $0x38;
	[tilespmem:$0x9A00] =	vst v63  }
0xf5: {  	_ =	swait.ge [sflag:s28], $0x4000  }
0xf6: {  	p0 =	sne.s32 s15, $0x1;
	[sflag:s28] =	ssyncset.done $0x0  }
.Ltmp0:
0xf7: {  	[sflag:s28] =	ssyncadd.s32 $0xFFFFC000;
	(pc) =	sbr.rel @p0 .LBB2_1-.Ltmp0, $4  }
0xf8: {  	[hbm4b:s14+s5] =	stream.linear.scatter [tilespmem:s24], [sflag:$0x5], $0x1000, $0x38;
	[tilespmem:$0x9A00] =	vst v63  }
0xf9: {  	_ =	swait.ge [sflag:s28], $0x1000  }
0xfa: {  	[sflag:s28] =	ssyncset.done $0x0  }
0xfb: {  	s15 =	sadd.s32 $0xFFFFFFFF, s15;
	[sflag:s28] =	ssyncadd.s32 $0xFFFFF000  }
0xfc: {  	_ =	sfence.sel $0x180000  }
0xfd: {  	[bflag:$0x0] =	sbarrier.arrive $0xFFFF  }
0xfe: {  	p0 =	sne.s32 s4, $0x0;
	_ =	strace $0x90000047  }
0xff: {  	s0 =	sadd.s32 @!p0 $0x100000, s3;
	[bflag:$0x2] =	sbarrier.arrive $0xFFFF  }
0x100: {  	[sflag:s0] =	ssyncadd.tile.s32 @!p0 $0x1;
	_ =	shalt  }
.Lfunc_end2:
_tile_overlayer_lowered:
.L_overlay_start_2:
0x101: {  	(tag) =	ssettag $0x2  }
0x102: {  	s0 =	rddreg [dreg:$0x0];
	s2 =	stileid.u32  }
0x103: {  	s1 =	rddreg [dreg:$0x1];
	p0 =	sne.s32 s2, $0x0  }
0x104: {  	s3 =	rddreg [dreg:$0x2];
	[bflag:$0x3] =	sbarrier.arrive $0xFFFF;
	s2 =	simm.s32 @!p0 $0x1C05  }
0x105: {  	[timem:s3], [sflag:s2] =	dma.local @!p0 [hbm:s0], s1  }
0x106: {  	s0 =	simm.s32 @!p0 $0x5  }
0x107: {  	_ =	swait.ge @!p0 [sflag:s0], s1  }
0x108: {  	s1 =	ssub.s32 @!p0 $0x0, s1;
	[sflag:s0] =	ssyncset.done @!p0 $0x0  }
0x109: {  	[sflag:s0] =	ssyncadd.s32 @!p0 s1  }
0x10a: {  	[bflag:$0x3] =	sbarrier.arrive $0xFFFF  }
0x10b: {  	_ =	shalt  }

</sc_bundles>
